<compile_context>
chip_gen: v7x
topology: tpu7x:2x2x1
jax: 0.10.2.dev20260603
libtpu: 0.0.44.dev20260713+nightly
codegen_flags: <defaults>
</compile_context>

<pallas_src>
import jax
import jax.numpy as jnp
from jax import lax
from jax.experimental import pallas as pl
from jax.experimental.pallas import tpu as pltpu
from jax.experimental.pallas import tpu_sc as plsc

B = 64
H = 2048
D = 128
NC = 2
NS = 16
NW = NC * NS
BPW = B // NW
E = BPW * H
GCH = 256
CPB = H // GCH


def _sc_body(pred_hbm, targ_hbm, out_hbm, idx_v, col_v, row_v, res_v,
             semc0, semc1, sem2):
    cid = lax.axis_index("c")
    sid = lax.axis_index("s")
    wid = cid * NS + sid
    b0 = wid * BPW
    lanes = lax.iota(jnp.int32, 16)
    lanesD = lanes * D

    base = b0 * H * D + 1
    csems = [semc0, semc1]

    for k in range(BPW):

        def chunk_fire(c, _):
            off = k * H + c * GCH
            for u in range(GCH // 16):
                idx_v[pl.ds(off + u * 16, 16)] = (
                    (base + (off + u * 16) * D) + lanesD)
            pltpu.async_copy(
                targ_hbm.at[idx_v.at[pl.ds(off, GCH)]],
                col_v.at[pl.ds(off, GCH)], csems[k])
            return 0

        lax.fori_loop(0, CPB, chunk_fire, 0)

    def count_batch(k):
        pltpu.make_async_copy(
            targ_hbm.at[idx_v.at[pl.ds(k * H, H)]],
            col_v.at[pl.ds(k * H, H)], csems[k]).wait()

        def cnt(c, acc):
            off = k * H + c * 128
            for u in range(8):
                v = col_v[pl.ds(off + u * 16, 16)]
                acc = acc + jnp.where(v != 0.0, 1, 0).astype(jnp.int32)
            return acc

        accv = lax.fori_loop(0, H // 128, cnt, jnp.zeros((16,), jnp.int32))
        return jnp.sum(accv)

    for k in range(BPW):
        bb = b0 + k
        o = k * 4 * D
        g = (bb * H + (H - 1)) * D
        gp = (bb * H + (H - 2)) * D
        pltpu.async_copy(pred_hbm.at[pl.ds(g, D)], row_v.at[pl.ds(o, D)], sem2)
        pltpu.async_copy(targ_hbm.at[pl.ds(g, D)],
                         row_v.at[pl.ds(o + D, D)], sem2)
        pltpu.async_copy(pred_hbm.at[pl.ds(gp, D)],
                         row_v.at[pl.ds(o + 2 * D, D)], sem2)
        pltpu.async_copy(targ_hbm.at[pl.ds(gp, D)],
                         row_v.at[pl.ds(o + 3 * D, D)], sem2)

    ts = []
    rs = []
    for k in range(BPW):
        t = count_batch(k)
        r = jnp.where(t == 0, H - 1, t - 1)
        ts.append(t)
        rs.append(r)

    for k in range(BPW):
        o = k * 4 * D
        g = (b0 + k) * H * D
        for j in range(4):
            pltpu.make_async_copy(pred_hbm.at[pl.ds(g, D)],
                                  row_v.at[pl.ds(o + j * D, D)], sem2).wait()

    for k in range(BPW):
        r = rs[k]

        @pl.when(r != H - 1)
        def _(k=k, r=r):
            rp = jnp.maximum(r - 1, 0)
            bb = b0 + k
            g = (bb * H + r) * D
            gp = (bb * H + rp) * D
            o = k * 4 * D
            pltpu.sync_copy(pred_hbm.at[pl.ds(g, D)], row_v.at[pl.ds(o, D)])
            pltpu.sync_copy(targ_hbm.at[pl.ds(g, D)],
                            row_v.at[pl.ds(o + D, D)])
            pltpu.sync_copy(pred_hbm.at[pl.ds(gp, D)],
                            row_v.at[pl.ds(o + 2 * D, D)])
            pltpu.sync_copy(targ_hbm.at[pl.ds(gp, D)],
                            row_v.at[pl.ds(o + 3 * D, D)])

    total = jnp.float32(0.0)
    for k in range(BPW):
        t, r = ts[k], rs[k]
        x = t.astype(jnp.float32) * jnp.float32(1.0 / (H - 1))
        xv = jnp.full((16,), x, jnp.float32)
        iv = plsc.bitcast(xv, jnp.int32)
        yv = plsc.bitcast(jnp.int32(0x5F3759DF) - (iv >> 1), jnp.float32)
        for _ in range(3):
            yv = yv * (1.5 - 0.5 * xv * yv * yv)
        pwv = xv * xv * (xv * yv)
        pw = jnp.sum(jnp.where(lanes == 0, pwv, 0.0))
        pw = jnp.where(t == 0, 0.0, pw)
        wgt = 1.0 + 0.5 * pw

        pm = jnp.where(r > 0, 1.0, 0.0)
        o = k * 4 * D
        z = jnp.zeros((16,), jnp.float32)
        sq, l1 = z, z
        for c in range(D // 16):
            dd = (row_v[pl.ds(o + c * 16, 16)]
                  - row_v[pl.ds(o + D + c * 16, 16)])
            dp = (row_v[pl.ds(o + 2 * D + c * 16, 16)]
                  - row_v[pl.ds(o + 3 * D + c * 16, 16)]) * pm
            sq = sq + dd * dd
            l1 = l1 + jnp.abs(dd - dp)
        total = total + wgt * (jnp.sum(sq) + jnp.sum(l1))

    res_v[...] = jnp.where(lanes == 0, jnp.full((16,), total, jnp.float32),
                           jnp.zeros((16,), jnp.float32))
    pltpu.sync_copy(res_v, out_hbm.at[wid])


@jax.jit
def _sc_loss(pred_flat, targ_flat):
    mesh = plsc.VectorSubcoreMesh(core_axis_name="c", subcore_axis_name="s")
    f = pl.kernel(
        _sc_body,
        out_type=jax.ShapeDtypeStruct((NW, 16), jnp.float32),
        mesh=mesh,
        compiler_params=pltpu.CompilerParams(needs_layout_passes=False),
        scratch_types=[
            pltpu.VMEM((E,), jnp.int32),
            pltpu.VMEM((E,), jnp.float32),
            pltpu.VMEM((4 * BPW * D,), jnp.float32),
            pltpu.VMEM((16,), jnp.float32),
            pltpu.SemaphoreType.DMA,
            pltpu.SemaphoreType.DMA,
            pltpu.SemaphoreType.DMA,
        ],
    )
    return f(pred_flat, targ_flat)


def kernel(pred, targ):
    out = _sc_loss(pred.reshape(-1), targ.reshape(-1))
    loss = jnp.sum(out) * (1.0 / B)
    return (loss, {"a0_loss": loss})

# --- scband reference (transcript-rebuilt; emitter-appended) ---
"""Pipeline reference for scband-weighted-state-loss-model4-46995532153319 (READ-ONLY COPY).

The authoritative reference and input builder live on the scoring server;
editing this copy changes nothing except your own understanding.
"""

import jax, jax.numpy as jnp
import numpy as np


def w(t, T, K, b=2.5):
    t_normalized = t / (T - 1)
    f_t = 1 + (K - 1) * t_normalized ** b
    return f_t


def setup_inputs(seed: int = 0) -> dict:
    key = jax.random.key(seed)
    k1, k2 = jax.random.split(key)
    pred = jax.random.normal(k1, (64, 2048, 128), dtype=jnp.float32)
    targ = jax.random.normal(k2, (64, 2048, 128), dtype=jnp.float32)
    return {"pred": pred, "targ": targ}


def reference(pred, targ):
    B, H, D = targ.shape
    mask = (targ != 0).astype(jnp.float32)
    loss = (pred - targ) ** 2
    loss2 = pred - targ
    # loss3[:, 1:] = loss2[:, :-1]
    loss3 = jnp.concatenate([jnp.zeros_like(loss2[:, :1]), loss2[:, :-1]], axis=1)
    loss1 = jnp.abs(loss2 - loss3)
    non_zero_counts = mask.sum(axis=1)  # [B, D]
    t = non_zero_counts[:, 1]  # [B]
    weight = w(t, H, 1.5)  # [B]
    t_idx = t.astype(jnp.int32) - 1
    rows = jnp.arange(B)
    masked = jnp.zeros_like(targ).at[rows, t_idx, :].set(weight[:, None])
    # masked1 is computed in the original module but never used downstream
    # (masked_loss1 = loss1 * masked), so it is omitted from the math.
    masked_loss = loss * masked
    masked_loss1 = loss1 * masked
    weighted_loss = masked_loss.sum(axis=(1, 2)) + masked_loss1.sum(axis=(1, 2))
    weighted_loss = jnp.mean(weighted_loss)
    return (weighted_loss, {"a0_loss": weighted_loss})

if __name__ == "__main__":
    import jax
    _d = setup_inputs()
    print(jax.jit(kernel)(*tuple(_d.values())))

</pallas_src>

<mosaic_0001>
#map = affine_map<(d0, d1) -> (0)>
#map1 = affine_map<(d0, d1) -> (0, 0)>
module attributes {stable_mosaic.version = 14 : i64} {
  func.func @_sc_body(%arg0: i32, %arg1: i32, %arg2: memref<16777216xf32, #tpu.memory_space<hbm>>, %arg3: memref<16777216xf32, #tpu.memory_space<hbm>>, %arg4: memref<32x16xf32, #tpu.memory_space<hbm>>, %arg5: memref<4096xi32, #tpu.memory_space<vmem>>, %arg6: memref<4096xf32, #tpu.memory_space<vmem>>, %arg7: memref<1024xf32, #tpu.memory_space<vmem>>, %arg8: memref<16xf32, #tpu.memory_space<vmem>>, %arg9: memref<!tpu.dma_semaphore, #tpu.memory_space<semaphore_mem>>, %arg10: memref<!tpu.dma_semaphore, #tpu.memory_space<semaphore_mem>>, %arg11: memref<!tpu.dma_semaphore, #tpu.memory_space<semaphore_mem>>) attributes {dimension_semantics = [#tpu.dimension_semantics<core_parallel>, #tpu.dimension_semantics<subcore_parallel>], iteration_bounds = array<i64: 2, 16>, scalar_prefetch = 0 : i64, scratch_operands = 7 : i64, tpu.core_type = #tpu.core_type<sc_vector_subcore>, window_params = [{transform_indices = #map}, {transform_indices = #map}, {transform_indices = #map1}]} {
    %mul3A = arith.constant 16 : i32
    %mul3A_0 = arith.muli %arg0, %mul3A : i32
    %add3A = arith.addi %mul3A_0, %arg1 : i32
    %mul3A_1 = arith.constant 2 : i32
    %mul3A_2 = arith.muli %add3A, %mul3A_1 : i32
    %iota3A = tpu.iota {dimensions = array<i32: 0>} : vector<16xi32>
    %mul3A_3 = arith.constant 128 : i32
    %mul3A_4 = vector.broadcast %mul3A_3 : i32 to vector<16xi32>
    %mul3A_5 = arith.muli %iota3A, %mul3A_4 : vector<16xi32>
    %mul3A_6 = arith.constant 2048 : i32
    %mul3A_7 = arith.muli %mul3A_2, %mul3A_6 : i32
    %mul3A_8 = arith.constant 128 : i32
    %mul3A_9 = arith.muli %mul3A_7, %mul3A_8 : i32
    %add3A_10 = arith.constant 1 : i32
    %add3A_11 = arith.addi %mul3A_9, %add3A_10 : i32
    %scan3A = arith.constant 0 : i32
    %scan3A_12 = arith.constant 0 : i32
    %scan3A_13 = arith.constant 8 : i32
    %scan3A_14 = arith.addi %scan3A_12, %scan3A_13 : i32
    %scan3A_15 = arith.constant 1 : i32
    %scan3A_16 = scf.for %scan3A_640 = %scan3A_12 to %scan3A_14 step %scan3A_15 iter_args(%scan3A_641 = %scan3A) -> (i32)  : i32 {
      %mul3A_642 = arith.constant 256 : i32
      %mul3A_643 = arith.muli %scan3A_640, %mul3A_642 : i32
      %add3A_644 = arith.constant 0 : i32
      %add3A_645 = arith.addi %add3A_644, %mul3A_643 : i32
      %add3A_646 = arith.constant 0 : i32
      %add3A_647 = arith.addi %add3A_645, %add3A_646 : i32
      %mul3A_648 = arith.constant 128 : i32
      %mul3A_649 = arith.muli %add3A_647, %mul3A_648 : i32
      %add3A_650 = arith.addi %add3A_11, %mul3A_649 : i32
      %add3A_651 = vector.broadcast %add3A_650 : i32 to vector<16xi32>
      %add3A_652 = arith.addi %add3A_651, %mul3A_5 : vector<16xi32>
      %add3A_653 = arith.constant 0 : i32
      %add3A_654 = arith.addi %add3A_645, %add3A_653 : i32
      %swap3A_655 = arith.index_cast %add3A_654 : i32 to index
      %swap3A_656 = tpu.vector_load %arg5[%swap3A_655] {strides = array<i32>} : memref<4096xi32, #tpu.memory_space<vmem>>, vector<16xi32>,
      tpu.vector_store %arg5[%swap3A_655], %add3A_652 {strides = array<i32>} : memref<4096xi32, #tpu.memory_space<vmem>>, vector<16xi32>,
      %add3A_657 = arith.constant 16 : i32
      %add3A_658 = arith.addi %add3A_645, %add3A_657 : i32
      %mul3A_659 = arith.constant 128 : i32
      %mul3A_660 = arith.muli %add3A_658, %mul3A_659 : i32
      %add3A_661 = arith.addi %add3A_11, %mul3A_660 : i32
      %add3A_662 = vector.broadcast %add3A_661 : i32 to vector<16xi32>
      %add3A_663 = arith.addi %add3A_662, %mul3A_5 : vector<16xi32>
      %add3A_664 = arith.constant 16 : i32
      %add3A_665 = arith.addi %add3A_645, %add3A_664 : i32
      %swap3A_666 = arith.index_cast %add3A_665 : i32 to index
      %swap3A_667 = tpu.vector_load %arg5[%swap3A_666] {strides = array<i32>} : memref<4096xi32, #tpu.memory_space<vmem>>, vector<16xi32>,
      tpu.vector_store %arg5[%swap3A_666], %add3A_663 {strides = array<i32>} : memref<4096xi32, #tpu.memory_space<vmem>>, vector<16xi32>,
      %add3A_668 = arith.constant 32 : i32
      %add3A_669 = arith.addi %add3A_645, %add3A_668 : i32
      %mul3A_670 = arith.constant 128 : i32
      %mul3A_671 = arith.muli %add3A_669, %mul3A_670 : i32
      %add3A_672 = arith.addi %add3A_11, %mul3A_671 : i32
      %add3A_673 = vector.broadcast %add3A_672 : i32 to vector<16xi32>
      %add3A_674 = arith.addi %add3A_673, %mul3A_5 : vector<16xi32>
      %add3A_675 = arith.constant 32 : i32
      %add3A_676 = arith.addi %add3A_645, %add3A_675 : i32
      %swap3A_677 = arith.index_cast %add3A_676 : i32 to index
      %swap3A_678 = tpu.vector_load %arg5[%swap3A_677] {strides = array<i32>} : memref<4096xi32, #tpu.memory_space<vmem>>, vector<16xi32>,
      tpu.vector_store %arg5[%swap3A_677], %add3A_674 {strides = array<i32>} : memref<4096xi32, #tpu.memory_space<vmem>>, vector<16xi32>,
      %add3A_679 = arith.constant 48 : i32
      %add3A_680 = arith.addi %add3A_645, %add3A_679 : i32
      %mul3A_681 = arith.constant 128 : i32
      %mul3A_682 = arith.muli %add3A_680, %mul3A_681 : i32
      %add3A_683 = arith.addi %add3A_11, %mul3A_682 : i32
      %add3A_684 = vector.broadcast %add3A_683 : i32 to vector<16xi32>
      %add3A_685 = arith.addi %add3A_684, %mul3A_5 : vector<16xi32>
      %add3A_686 = arith.constant 48 : i32
      %add3A_687 = arith.addi %add3A_645, %add3A_686 : i32
      %swap3A_688 = arith.index_cast %add3A_687 : i32 to index
      %swap3A_689 = tpu.vector_load %arg5[%swap3A_688] {strides = array<i32>} : memref<4096xi32, #tpu.memory_space<vmem>>, vector<16xi32>,
      tpu.vector_store %arg5[%swap3A_688], %add3A_685 {strides = array<i32>} : memref<4096xi32, #tpu.memory_space<vmem>>, vector<16xi32>,
      %add3A_690 = arith.constant 64 : i32
      %add3A_691 = arith.addi %add3A_645, %add3A_690 : i32
      %mul3A_692 = arith.constant 128 : i32
      %mul3A_693 = arith.muli %add3A_691, %mul3A_692 : i32
      %add3A_694 = arith.addi %add3A_11, %mul3A_693 : i32
      %add3A_695 = vector.broadcast %add3A_694 : i32 to vector<16xi32>
      %add3A_696 = arith.addi %add3A_695, %mul3A_5 : vector<16xi32>
      %add3A_697 = arith.constant 64 : i32
      %add3A_698 = arith.addi %add3A_645, %add3A_697 : i32
      %swap3A_699 = arith.index_cast %add3A_698 : i32 to index
      %swap3A_700 = tpu.vector_load %arg5[%swap3A_699] {strides = array<i32>} : memref<4096xi32, #tpu.memory_space<vmem>>, vector<16xi32>,
      tpu.vector_store %arg5[%swap3A_699], %add3A_696 {strides = array<i32>} : memref<4096xi32, #tpu.memory_space<vmem>>, vector<16xi32>,
      %add3A_701 = arith.constant 80 : i32
      %add3A_702 = arith.addi %add3A_645, %add3A_701 : i32
      %mul3A_703 = arith.constant 128 : i32
      %mul3A_704 = arith.muli %add3A_702, %mul3A_703 : i32
      %add3A_705 = arith.addi %add3A_11, %mul3A_704 : i32
      %add3A_706 = vector.broadcast %add3A_705 : i32 to vector<16xi32>
      %add3A_707 = arith.addi %add3A_706, %mul3A_5 : vector<16xi32>
      %add3A_708 = arith.constant 80 : i32
      %add3A_709 = arith.addi %add3A_645, %add3A_708 : i32
      %swap3A_710 = arith.index_cast %add3A_709 : i32 to index
      %swap3A_711 = tpu.vector_load %arg5[%swap3A_710] {strides = array<i32>} : memref<4096xi32, #tpu.memory_space<vmem>>, vector<16xi32>,
      tpu.vector_store %arg5[%swap3A_710], %add3A_707 {strides = array<i32>} : memref<4096xi32, #tpu.memory_space<vmem>>, vector<16xi32>,
      %add3A_712 = arith.constant 96 : i32
      %add3A_713 = arith.addi %add3A_645, %add3A_712 : i32
      %mul3A_714 = arith.constant 128 : i32
      %mul3A_715 = arith.muli %add3A_713, %mul3A_714 : i32
      %add3A_716 = arith.addi %add3A_11, %mul3A_715 : i32
      %add3A_717 = vector.broadcast %add3A_716 : i32 to vector<16xi32>
      %add3A_718 = arith.addi %add3A_717, %mul3A_5 : vector<16xi32>
      %add3A_719 = arith.constant 96 : i32
      %add3A_720 = arith.addi %add3A_645, %add3A_719 : i32
      %swap3A_721 = arith.index_cast %add3A_720 : i32 to index
      %swap3A_722 = tpu.vector_load %arg5[%swap3A_721] {strides = array<i32>} : memref<4096xi32, #tpu.memory_space<vmem>>, vector<16xi32>,
      tpu.vector_store %arg5[%swap3A_721], %add3A_718 {strides = array<i32>} : memref<4096xi32, #tpu.memory_space<vmem>>, vector<16xi32>,
      %add3A_723 = arith.constant 112 : i32
      %add3A_724 = arith.addi %add3A_645, %add3A_723 : i32
      %mul3A_725 = arith.constant 128 : i32
      %mul3A_726 = arith.muli %add3A_724, %mul3A_725 : i32
      %add3A_727 = arith.addi %add3A_11, %mul3A_726 : i32
      %add3A_728 = vector.broadcast %add3A_727 : i32 to vector<16xi32>
      %add3A_729 = arith.addi %add3A_728, %mul3A_5 : vector<16xi32>
      %add3A_730 = arith.constant 112 : i32
      %add3A_731 = arith.addi %add3A_645, %add3A_730 : i32
      %swap3A_732 = arith.index_cast %add3A_731 : i32 to index
      %swap3A_733 = tpu.vector_load %arg5[%swap3A_732] {strides = array<i32>} : memref<4096xi32, #tpu.memory_space<vmem>>, vector<16xi32>,
      tpu.vector_store %arg5[%swap3A_732], %add3A_729 {strides = array<i32>} : memref<4096xi32, #tpu.memory_space<vmem>>, vector<16xi32>,
      %add3A_734 = arith.constant 128 : i32
      %add3A_735 = arith.addi %add3A_645, %add3A_734 : i32
      %mul3A_736 = arith.constant 128 : i32
      %mul3A_737 = arith.muli %add3A_735, %mul3A_736 : i32
      %add3A_738 = arith.addi %add3A_11, %mul3A_737 : i32
      %add3A_739 = vector.broadcast %add3A_738 : i32 to vector<16xi32>
      %add3A_740 = arith.addi %add3A_739, %mul3A_5 : vector<16xi32>
      %add3A_741 = arith.constant 128 : i32
      %add3A_742 = arith.addi %add3A_645, %add3A_741 : i32
      %swap3A_743 = arith.index_cast %add3A_742 : i32 to index
      %swap3A_744 = tpu.vector_load %arg5[%swap3A_743] {strides = array<i32>} : memref<4096xi32, #tpu.memory_space<vmem>>, vector<16xi32>,
      tpu.vector_store %arg5[%swap3A_743], %add3A_740 {strides = array<i32>} : memref<4096xi32, #tpu.memory_space<vmem>>, vector<16xi32>,
      %add3A_745 = arith.constant 144 : i32
      %add3A_746 = arith.addi %add3A_645, %add3A_745 : i32
      %mul3A_747 = arith.constant 128 : i32
      %mul3A_748 = arith.muli %add3A_746, %mul3A_747 : i32
      %add3A_749 = arith.addi %add3A_11, %mul3A_748 : i32
      %add3A_750 = vector.broadcast %add3A_749 : i32 to vector<16xi32>
      %add3A_751 = arith.addi %add3A_750, %mul3A_5 : vector<16xi32>
      %add3A_752 = arith.constant 144 : i32
      %add3A_753 = arith.addi %add3A_645, %add3A_752 : i32
      %swap3A_754 = arith.index_cast %add3A_753 : i32 to index
      %swap3A_755 = tpu.vector_load %arg5[%swap3A_754] {strides = array<i32>} : memref<4096xi32, #tpu.memory_space<vmem>>, vector<16xi32>,
      tpu.vector_store %arg5[%swap3A_754], %add3A_751 {strides = array<i32>} : memref<4096xi32, #tpu.memory_space<vmem>>, vector<16xi32>,
      %add3A_756 = arith.constant 160 : i32
      %add3A_757 = arith.addi %add3A_645, %add3A_756 : i32
      %mul3A_758 = arith.constant 128 : i32
      %mul3A_759 = arith.muli %add3A_757, %mul3A_758 : i32
      %add3A_760 = arith.addi %add3A_11, %mul3A_759 : i32
      %add3A_761 = vector.broadcast %add3A_760 : i32 to vector<16xi32>
      %add3A_762 = arith.addi %add3A_761, %mul3A_5 : vector<16xi32>
      %add3A_763 = arith.constant 160 : i32
      %add3A_764 = arith.addi %add3A_645, %add3A_763 : i32
      %swap3A_765 = arith.index_cast %add3A_764 : i32 to index
      %swap3A_766 = tpu.vector_load %arg5[%swap3A_765] {strides = array<i32>} : memref<4096xi32, #tpu.memory_space<vmem>>, vector<16xi32>,
      tpu.vector_store %arg5[%swap3A_765], %add3A_762 {strides = array<i32>} : memref<4096xi32, #tpu.memory_space<vmem>>, vector<16xi32>,
      %add3A_767 = arith.constant 176 : i32
      %add3A_768 = arith.addi %add3A_645, %add3A_767 : i32
      %mul3A_769 = arith.constant 128 : i32
      %mul3A_770 = arith.muli %add3A_768, %mul3A_769 : i32
      %add3A_771 = arith.addi %add3A_11, %mul3A_770 : i32
      %add3A_772 = vector.broadcast %add3A_771 : i32 to vector<16xi32>
      %add3A_773 = arith.addi %add3A_772, %mul3A_5 : vector<16xi32>
      %add3A_774 = arith.constant 176 : i32
      %add3A_775 = arith.addi %add3A_645, %add3A_774 : i32
      %swap3A_776 = arith.index_cast %add3A_775 : i32 to index
      %swap3A_777 = tpu.vector_load %arg5[%swap3A_776] {strides = array<i32>} : memref<4096xi32, #tpu.memory_space<vmem>>, vector<16xi32>,
      tpu.vector_store %arg5[%swap3A_776], %add3A_773 {strides = array<i32>} : memref<4096xi32, #tpu.memory_space<vmem>>, vector<16xi32>,
      %add3A_778 = arith.constant 192 : i32
      %add3A_779 = arith.addi %add3A_645, %add3A_778 : i32
      %mul3A_780 = arith.constant 128 : i32
      %mul3A_781 = arith.muli %add3A_779, %mul3A_780 : i32
      %add3A_782 = arith.addi %add3A_11, %mul3A_781 : i32
      %add3A_783 = vector.broadcast %add3A_782 : i32 to vector<16xi32>
      %add3A_784 = arith.addi %add3A_783, %mul3A_5 : vector<16xi32>
      %add3A_785 = arith.constant 192 : i32
      %add3A_786 = arith.addi %add3A_645, %add3A_785 : i32
      %swap3A_787 = arith.index_cast %add3A_786 : i32 to index
      %swap3A_788 = tpu.vector_load %arg5[%swap3A_787] {strides = array<i32>} : memref<4096xi32, #tpu.memory_space<vmem>>, vector<16xi32>,
      tpu.vector_store %arg5[%swap3A_787], %add3A_784 {strides = array<i32>} : memref<4096xi32, #tpu.memory_space<vmem>>, vector<16xi32>,
      %add3A_789 = arith.constant 208 : i32
      %add3A_790 = arith.addi %add3A_645, %add3A_789 : i32
      %mul3A_791 = arith.constant 128 : i32
      %mul3A_792 = arith.muli %add3A_790, %mul3A_791 : i32
      %add3A_793 = arith.addi %add3A_11, %mul3A_792 : i32
      %add3A_794 = vector.broadcast %add3A_793 : i32 to vector<16xi32>
      %add3A_795 = arith.addi %add3A_794, %mul3A_5 : vector<16xi32>
      %add3A_796 = arith.constant 208 : i32
      %add3A_797 = arith.addi %add3A_645, %add3A_796 : i32
      %swap3A_798 = arith.index_cast %add3A_797 : i32 to index
      %swap3A_799 = tpu.vector_load %arg5[%swap3A_798] {strides = array<i32>} : memref<4096xi32, #tpu.memory_space<vmem>>, vector<16xi32>,
      tpu.vector_store %arg5[%swap3A_798], %add3A_795 {strides = array<i32>} : memref<4096xi32, #tpu.memory_space<vmem>>, vector<16xi32>,
      %add3A_800 = arith.constant 224 : i32
      %add3A_801 = arith.addi %add3A_645, %add3A_800 : i32
      %mul3A_802 = arith.constant 128 : i32
      %mul3A_803 = arith.muli %add3A_801, %mul3A_802 : i32
      %add3A_804 = arith.addi %add3A_11, %mul3A_803 : i32
      %add3A_805 = vector.broadcast %add3A_804 : i32 to vector<16xi32>
      %add3A_806 = arith.addi %add3A_805, %mul3A_5 : vector<16xi32>
      %add3A_807 = arith.constant 224 : i32
      %add3A_808 = arith.addi %add3A_645, %add3A_807 : i32
      %swap3A_809 = arith.index_cast %add3A_808 : i32 to index
      %swap3A_810 = tpu.vector_load %arg5[%swap3A_809] {strides = array<i32>} : memref<4096xi32, #tpu.memory_space<vmem>>, vector<16xi32>,
      tpu.vector_store %arg5[%swap3A_809], %add3A_806 {strides = array<i32>} : memref<4096xi32, #tpu.memory_space<vmem>>, vector<16xi32>,
      %add3A_811 = arith.constant 240 : i32
      %add3A_812 = arith.addi %add3A_645, %add3A_811 : i32
      %mul3A_813 = arith.constant 128 : i32
      %mul3A_814 = arith.muli %add3A_812, %mul3A_813 : i32
      %add3A_815 = arith.addi %add3A_11, %mul3A_814 : i32
      %add3A_816 = vector.broadcast %add3A_815 : i32 to vector<16xi32>
      %add3A_817 = arith.addi %add3A_816, %mul3A_5 : vector<16xi32>
      %add3A_818 = arith.constant 240 : i32
      %add3A_819 = arith.addi %add3A_645, %add3A_818 : i32
      %swap3A_820 = arith.index_cast %add3A_819 : i32 to index
      %swap3A_821 = tpu.vector_load %arg5[%swap3A_820] {strides = array<i32>} : memref<4096xi32, #tpu.memory_space<vmem>>, vector<16xi32>,
      tpu.vector_store %arg5[%swap3A_820], %add3A_817 {strides = array<i32>} : memref<4096xi32, #tpu.memory_space<vmem>>, vector<16xi32>,
      %dma_start3A_822 = tpu.memref_slice %arg6[%add3A_645] : memref<4096xf32, #tpu.memory_space<vmem>> -> memref<256xf32, #tpu.memory_space<vmem>>
      %dma_start3A_823 = tpu.memref_slice %arg5[%add3A_645] : memref<4096xi32, #tpu.memory_space<vmem>> -> memref<256xi32, #tpu.memory_space<vmem>>
      %dma_start3A_824 = arith.constant 0 : i32
      %dma_start3A_825 = tpu.memref_slice %arg3[%dma_start3A_824] : memref<16777216xf32, #tpu.memory_space<hbm>> -> memref<16777216xf32, #tpu.memory_space<hbm>>
      tpu.enqueue_indirect_dma source(%dma_start3A_825 : memref<16777216xf32, #tpu.memory_space<hbm>>) target(%dma_start3A_822 : memref<256xf32, #tpu.memory_space<vmem>>) offsets(%dma_start3A_823 : memref<256xi32, #tpu.memory_space<vmem>>) semaphore(%arg9 : memref<!tpu.dma_semaphore, #tpu.memory_space<semaphore_mem>>)
      %scan3A_826 = arith.constant 0 : i32
      scf.yield %scan3A_826 : i32
    }
    %scan3A_17 = arith.constant 8 : i32
    %scan3A_18 = arith.constant 0 : i32
    %scan3A_19 = arith.constant 0 : i32
    %scan3A_20 = arith.constant 8 : i32
    %scan3A_21 = arith.addi %scan3A_19, %scan3A_20 : i32
    %scan3A_22 = arith.constant 1 : i32
    %scan3A_23 = scf.for %scan3A_640 = %scan3A_19 to %scan3A_21 step %scan3A_22 iter_args(%scan3A_641 = %scan3A_18) -> (i32)  : i32 {
      %mul3A_642 = arith.constant 256 : i32
      %mul3A_643 = arith.muli %scan3A_640, %mul3A_642 : i32
      %add3A_644 = arith.constant 2048 : i32
      %add3A_645 = arith.addi %add3A_644, %mul3A_643 : i32
      %add3A_646 = arith.constant 0 : i32
      %add3A_647 = arith.addi %add3A_645, %add3A_646 : i32
      %mul3A_648 = arith.constant 128 : i32
      %mul3A_649 = arith.muli %add3A_647, %mul3A_648 : i32
      %add3A_650 = arith.addi %add3A_11, %mul3A_649 : i32
      %add3A_651 = vector.broadcast %add3A_650 : i32 to vector<16xi32>
      %add3A_652 = arith.addi %add3A_651, %mul3A_5 : vector<16xi32>
      %add3A_653 = arith.constant 0 : i32
      %add3A_654 = arith.addi %add3A_645, %add3A_653 : i32
      %swap3A_655 = arith.index_cast %add3A_654 : i32 to index
      %swap3A_656 = tpu.vector_load %arg5[%swap3A_655] {strides = array<i32>} : memref<4096xi32, #tpu.memory_space<vmem>>, vector<16xi32>,
      tpu.vector_store %arg5[%swap3A_655], %add3A_652 {strides = array<i32>} : memref<4096xi32, #tpu.memory_space<vmem>>, vector<16xi32>,
      %add3A_657 = arith.constant 16 : i32
      %add3A_658 = arith.addi %add3A_645, %add3A_657 : i32
      %mul3A_659 = arith.constant 128 : i32
      %mul3A_660 = arith.muli %add3A_658, %mul3A_659 : i32
      %add3A_661 = arith.addi %add3A_11, %mul3A_660 : i32
      %add3A_662 = vector.broadcast %add3A_661 : i32 to vector<16xi32>
      %add3A_663 = arith.addi %add3A_662, %mul3A_5 : vector<16xi32>
      %add3A_664 = arith.constant 16 : i32
      %add3A_665 = arith.addi %add3A_645, %add3A_664 : i32
      %swap3A_666 = arith.index_cast %add3A_665 : i32 to index
      %swap3A_667 = tpu.vector_load %arg5[%swap3A_666] {strides = array<i32>} : memref<4096xi32, #tpu.memory_space<vmem>>, vector<16xi32>,
      tpu.vector_store %arg5[%swap3A_666], %add3A_663 {strides = array<i32>} : memref<4096xi32, #tpu.memory_space<vmem>>, vector<16xi32>,
      %add3A_668 = arith.constant 32 : i32
      %add3A_669 = arith.addi %add3A_645, %add3A_668 : i32
      %mul3A_670 = arith.constant 128 : i32
      %mul3A_671 = arith.muli %add3A_669, %mul3A_670 : i32
      %add3A_672 = arith.addi %add3A_11, %mul3A_671 : i32
      %add3A_673 = vector.broadcast %add3A_672 : i32 to vector<16xi32>
      %add3A_674 = arith.addi %add3A_673, %mul3A_5 : vector<16xi32>
      %add3A_675 = arith.constant 32 : i32
      %add3A_676 = arith.addi %add3A_645, %add3A_675 : i32
      %swap3A_677 = arith.index_cast %add3A_676 : i32 to index
      %swap3A_678 = tpu.vector_load %arg5[%swap3A_677] {strides = array<i32>} : memref<4096xi32, #tpu.memory_space<vmem>>, vector<16xi32>,
      tpu.vector_store %arg5[%swap3A_677], %add3A_674 {strides = array<i32>} : memref<4096xi32, #tpu.memory_space<vmem>>, vector<16xi32>,
      %add3A_679 = arith.constant 48 : i32
      %add3A_680 = arith.addi %add3A_645, %add3A_679 : i32
      %mul3A_681 = arith.constant 128 : i32
      %mul3A_682 = arith.muli %add3A_680, %mul3A_681 : i32
      %add3A_683 = arith.addi %add3A_11, %mul3A_682 : i32
      %add3A_684 = vector.broadcast %add3A_683 : i32 to vector<16xi32>
      %add3A_685 = arith.addi %add3A_684, %mul3A_5 : vector<16xi32>
      %add3A_686 = arith.constant 48 : i32
      %add3A_687 = arith.addi %add3A_645, %add3A_686 : i32
      %swap3A_688 = arith.index_cast %add3A_687 : i32 to index
      %swap3A_689 = tpu.vector_load %arg5[%swap3A_688] {strides = array<i32>} : memref<4096xi32, #tpu.memory_space<vmem>>, vector<16xi32>,
      tpu.vector_store %arg5[%swap3A_688], %add3A_685 {strides = array<i32>} : memref<4096xi32, #tpu.memory_space<vmem>>, vector<16xi32>,
      %add3A_690 = arith.constant 64 : i32
      %add3A_691 = arith.addi %add3A_645, %add3A_690 : i32
      %mul3A_692 = arith.constant 128 : i32
      %mul3A_693 = arith.muli %add3A_691, %mul3A_692 : i32
      %add3A_694 = arith.addi %add3A_11, %mul3A_693 : i32
      %add3A_695 = vector.broadcast %add3A_694 : i32 to vector<16xi32>
      %add3A_696 = arith.addi %add3A_695, %mul3A_5 : vector<16xi32>
      %add3A_697 = arith.constant 64 : i32
      %add3A_698 = arith.addi %add3A_645, %add3A_697 : i32
      %swap3A_699 = arith.index_cast %add3A_698 : i32 to index
      %swap3A_700 = tpu.vector_load %arg5[%swap3A_699] {strides = array<i32>} : memref<4096xi32, #tpu.memory_space<vmem>>, vector<16xi32>,
      tpu.vector_store %arg5[%swap3A_699], %add3A_696 {strides = array<i32>} : memref<4096xi32, #tpu.memory_space<vmem>>, vector<16xi32>,
      %add3A_701 = arith.constant 80 : i32
      %add3A_702 = arith.addi %add3A_645, %add3A_701 : i32
      %mul3A_703 = arith.constant 128 : i32
      %mul3A_704 = arith.muli %add3A_702, %mul3A_703 : i32
      %add3A_705 = arith.addi %add3A_11, %mul3A_704 : i32
      %add3A_706 = vector.broadcast %add3A_705 : i32 to vector<16xi32>
      %add3A_707 = arith.addi %add3A_706, %mul3A_5 : vector<16xi32>
      %add3A_708 = arith.constant 80 : i32
      %add3A_709 = arith.addi %add3A_645, %add3A_708 : i32
      %swap3A_710 = arith.index_cast %add3A_709 : i32 to index
      %swap3A_711 = tpu.vector_load %arg5[%swap3A_710] {strides = array<i32>} : memref<4096xi32, #tpu.memory_space<vmem>>, vector<16xi32>,
      tpu.vector_store %arg5[%swap3A_710], %add3A_707 {strides = array<i32>} : memref<4096xi32, #tpu.memory_space<vmem>>, vector<16xi32>,
      %add3A_712 = arith.constant 96 : i32
      %add3A_713 = arith.addi %add3A_645, %add3A_712 : i32
      %mul3A_714 = arith.constant 128 : i32
      %mul3A_715 = arith.muli %add3A_713, %mul3A_714 : i32
      %add3A_716 = arith.addi %add3A_11, %mul3A_715 : i32
      %add3A_717 = vector.broadcast %add3A_716 : i32 to vector<16xi32>
      %add3A_718 = arith.addi %add3A_717, %mul3A_5 : vector<16xi32>
      %add3A_719 = arith.constant 96 : i32
      %add3A_720 = arith.addi %add3A_645, %add3A_719 : i32
      %swap3A_721 = arith.index_cast %add3A_720 : i32 to index
      %swap3A_722 = tpu.vector_load %arg5[%swap3A_721] {strides = array<i32>} : memref<4096xi32, #tpu.memory_space<vmem>>, vector<16xi32>,
      tpu.vector_store %arg5[%swap3A_721], %add3A_718 {strides = array<i32>} : memref<4096xi32, #tpu.memory_space<vmem>>, vector<16xi32>,
      %add3A_723 = arith.constant 112 : i32
      %add3A_724 = arith.addi %add3A_645, %add3A_723 : i32
      %mul3A_725 = arith.constant 128 : i32
      %mul3A_726 = arith.muli %add3A_724, %mul3A_725 : i32
      %add3A_727 = arith.addi %add3A_11, %mul3A_726 : i32
      %add3A_728 = vector.broadcast %add3A_727 : i32 to vector<16xi32>
      %add3A_729 = arith.addi %add3A_728, %mul3A_5 : vector<16xi32>
      %add3A_730 = arith.constant 112 : i32
      %add3A_731 = arith.addi %add3A_645, %add3A_730 : i32
      %swap3A_732 = arith.index_cast %add3A_731 : i32 to index
      %swap3A_733 = tpu.vector_load %arg5[%swap3A_732] {strides = array<i32>} : memref<4096xi32, #tpu.memory_space<vmem>>, vector<16xi32>,
      tpu.vector_store %arg5[%swap3A_732], %add3A_729 {strides = array<i32>} : memref<4096xi32, #tpu.memory_space<vmem>>, vector<16xi32>,
      %add3A_734 = arith.constant 128 : i32
      %add3A_735 = arith.addi %add3A_645, %add3A_734 : i32
      %mul3A_736 = arith.constant 128 : i32
      %mul3A_737 = arith.muli %add3A_735, %mul3A_736 : i32
      %add3A_738 = arith.addi %add3A_11, %mul3A_737 : i32
      %add3A_739 = vector.broadcast %add3A_738 : i32 to vector<16xi32>
      %add3A_740 = arith.addi %add3A_739, %mul3A_5 : vector<16xi32>
      %add3A_741 = arith.constant 128 : i32
      %add3A_742 = arith.addi %add3A_645, %add3A_741 : i32
      %swap3A_743 = arith.index_cast %add3A_742 : i32 to index
      %swap3A_744 = tpu.vector_load %arg5[%swap3A_743] {strides = array<i32>} : memref<4096xi32, #tpu.memory_space<vmem>>, vector<16xi32>,
      tpu.vector_store %arg5[%swap3A_743], %add3A_740 {strides = array<i32>} : memref<4096xi32, #tpu.memory_space<vmem>>, vector<16xi32>,
      %add3A_745 = arith.constant 144 : i32
      %add3A_746 = arith.addi %add3A_645, %add3A_745 : i32
      %mul3A_747 = arith.constant 128 : i32
      %mul3A_748 = arith.muli %add3A_746, %mul3A_747 : i32
      %add3A_749 = arith.addi %add3A_11, %mul3A_748 : i32
      %add3A_750 = vector.broadcast %add3A_749 : i32 to vector<16xi32>
      %add3A_751 = arith.addi %add3A_750, %mul3A_5 : vector<16xi32>
      %add3A_752 = arith.constant 144 : i32
      %add3A_753 = arith.addi %add3A_645, %add3A_752 : i32
      %swap3A_754 = arith.index_cast %add3A_753 : i32 to index
      %swap3A_755 = tpu.vector_load %arg5[%swap3A_754] {strides = array<i32>} : memref<4096xi32, #tpu.memory_space<vmem>>, vector<16xi32>,
      tpu.vector_store %arg5[%swap3A_754], %add3A_751 {strides = array<i32>} : memref<4096xi32, #tpu.memory_space<vmem>>, vector<16xi32>,
      %add3A_756 = arith.constant 160 : i32
      %add3A_757 = arith.addi %add3A_645, %add3A_756 : i32
      %mul3A_758 = arith.constant 128 : i32
      %mul3A_759 = arith.muli %add3A_757, %mul3A_758 : i32
      %add3A_760 = arith.addi %add3A_11, %mul3A_759 : i32
      %add3A_761 = vector.broadcast %add3A_760 : i32 to vector<16xi32>
      %add3A_762 = arith.addi %add3A_761, %mul3A_5 : vector<16xi32>
      %add3A_763 = arith.constant 160 : i32
      %add3A_764 = arith.addi %add3A_645, %add3A_763 : i32
      %swap3A_765 = arith.index_cast %add3A_764 : i32 to index
      %swap3A_766 = tpu.vector_load %arg5[%swap3A_765] {strides = array<i32>} : memref<4096xi32, #tpu.memory_space<vmem>>, vector<16xi32>,
      tpu.vector_store %arg5[%swap3A_765], %add3A_762 {strides = array<i32>} : memref<4096xi32, #tpu.memory_space<vmem>>, vector<16xi32>,
      %add3A_767 = arith.constant 176 : i32
      %add3A_768 = arith.addi %add3A_645, %add3A_767 : i32
      %mul3A_769 = arith.constant 128 : i32
      %mul3A_770 = arith.muli %add3A_768, %mul3A_769 : i32
      %add3A_771 = arith.addi %add3A_11, %mul3A_770 : i32
      %add3A_772 = vector.broadcast %add3A_771 : i32 to vector<16xi32>
      %add3A_773 = arith.addi %add3A_772, %mul3A_5 : vector<16xi32>
      %add3A_774 = arith.constant 176 : i32
      %add3A_775 = arith.addi %add3A_645, %add3A_774 : i32
      %swap3A_776 = arith.index_cast %add3A_775 : i32 to index
      %swap3A_777 = tpu.vector_load %arg5[%swap3A_776] {strides = array<i32>} : memref<4096xi32, #tpu.memory_space<vmem>>, vector<16xi32>,
      tpu.vector_store %arg5[%swap3A_776], %add3A_773 {strides = array<i32>} : memref<4096xi32, #tpu.memory_space<vmem>>, vector<16xi32>,
      %add3A_778 = arith.constant 192 : i32
      %add3A_779 = arith.addi %add3A_645, %add3A_778 : i32
      %mul3A_780 = arith.constant 128 : i32
      %mul3A_781 = arith.muli %add3A_779, %mul3A_780 : i32
      %add3A_782 = arith.addi %add3A_11, %mul3A_781 : i32
      %add3A_783 = vector.broadcast %add3A_782 : i32 to vector<16xi32>
      %add3A_784 = arith.addi %add3A_783, %mul3A_5 : vector<16xi32>
      %add3A_785 = arith.constant 192 : i32
      %add3A_786 = arith.addi %add3A_645, %add3A_785 : i32
      %swap3A_787 = arith.index_cast %add3A_786 : i32 to index
      %swap3A_788 = tpu.vector_load %arg5[%swap3A_787] {strides = array<i32>} : memref<4096xi32, #tpu.memory_space<vmem>>, vector<16xi32>,
      tpu.vector_store %arg5[%swap3A_787], %add3A_784 {strides = array<i32>} : memref<4096xi32, #tpu.memory_space<vmem>>, vector<16xi32>,
      %add3A_789 = arith.constant 208 : i32
      %add3A_790 = arith.addi %add3A_645, %add3A_789 : i32
      %mul3A_791 = arith.constant 128 : i32
      %mul3A_792 = arith.muli %add3A_790, %mul3A_791 : i32
      %add3A_793 = arith.addi %add3A_11, %mul3A_792 : i32
      %add3A_794 = vector.broadcast %add3A_793 : i32 to vector<16xi32>
      %add3A_795 = arith.addi %add3A_794, %mul3A_5 : vector<16xi32>
      %add3A_796 = arith.constant 208 : i32
      %add3A_797 = arith.addi %add3A_645, %add3A_796 : i32
      %swap3A_798 = arith.index_cast %add3A_797 : i32 to index
      %swap3A_799 = tpu.vector_load %arg5[%swap3A_798] {strides = array<i32>} : memref<4096xi32, #tpu.memory_space<vmem>>, vector<16xi32>,
      tpu.vector_store %arg5[%swap3A_798], %add3A_795 {strides = array<i32>} : memref<4096xi32, #tpu.memory_space<vmem>>, vector<16xi32>,
      %add3A_800 = arith.constant 224 : i32
      %add3A_801 = arith.addi %add3A_645, %add3A_800 : i32
      %mul3A_802 = arith.constant 128 : i32
      %mul3A_803 = arith.muli %add3A_801, %mul3A_802 : i32
      %add3A_804 = arith.addi %add3A_11, %mul3A_803 : i32
      %add3A_805 = vector.broadcast %add3A_804 : i32 to vector<16xi32>
      %add3A_806 = arith.addi %add3A_805, %mul3A_5 : vector<16xi32>
      %add3A_807 = arith.constant 224 : i32
      %add3A_808 = arith.addi %add3A_645, %add3A_807 : i32
      %swap3A_809 = arith.index_cast %add3A_808 : i32 to index
      %swap3A_810 = tpu.vector_load %arg5[%swap3A_809] {strides = array<i32>} : memref<4096xi32, #tpu.memory_space<vmem>>, vector<16xi32>,
      tpu.vector_store %arg5[%swap3A_809], %add3A_806 {strides = array<i32>} : memref<4096xi32, #tpu.memory_space<vmem>>, vector<16xi32>,
      %add3A_811 = arith.constant 240 : i32
      %add3A_812 = arith.addi %add3A_645, %add3A_811 : i32
      %mul3A_813 = arith.constant 128 : i32
      %mul3A_814 = arith.muli %add3A_812, %mul3A_813 : i32
      %add3A_815 = arith.addi %add3A_11, %mul3A_814 : i32
      %add3A_816 = vector.broadcast %add3A_815 : i32 to vector<16xi32>
      %add3A_817 = arith.addi %add3A_816, %mul3A_5 : vector<16xi32>
      %add3A_818 = arith.constant 240 : i32
      %add3A_819 = arith.addi %add3A_645, %add3A_818 : i32
      %swap3A_820 = arith.index_cast %add3A_819 : i32 to index
      %swap3A_821 = tpu.vector_load %arg5[%swap3A_820] {strides = array<i32>} : memref<4096xi32, #tpu.memory_space<vmem>>, vector<16xi32>,
      tpu.vector_store %arg5[%swap3A_820], %add3A_817 {strides = array<i32>} : memref<4096xi32, #tpu.memory_space<vmem>>, vector<16xi32>,
      %dma_start3A_822 = tpu.memref_slice %arg6[%add3A_645] : memref<4096xf32, #tpu.memory_space<vmem>> -> memref<256xf32, #tpu.memory_space<vmem>>
      %dma_start3A_823 = tpu.memref_slice %arg5[%add3A_645] : memref<4096xi32, #tpu.memory_space<vmem>> -> memref<256xi32, #tpu.memory_space<vmem>>
      %dma_start3A_824 = arith.constant 0 : i32
      %dma_start3A_825 = tpu.memref_slice %arg3[%dma_start3A_824] : memref<16777216xf32, #tpu.memory_space<hbm>> -> memref<16777216xf32, #tpu.memory_space<hbm>>
      tpu.enqueue_indirect_dma source(%dma_start3A_825 : memref<16777216xf32, #tpu.memory_space<hbm>>) target(%dma_start3A_822 : memref<256xf32, #tpu.memory_space<vmem>>) offsets(%dma_start3A_823 : memref<256xi32, #tpu.memory_space<vmem>>) semaphore(%arg10 : memref<!tpu.dma_semaphore, #tpu.memory_space<semaphore_mem>>)
      %scan3A_826 = arith.constant 0 : i32
      scf.yield %scan3A_826 : i32
    }
    %scan3A_24 = arith.constant 8 : i32
    %add3A_25 = arith.constant 0 : i32
    %add3A_26 = arith.addi %mul3A_2, %add3A_25 : i32
    %mul3A_27 = arith.constant 2048 : i32
    %mul3A_28 = arith.muli %add3A_26, %mul3A_27 : i32
    %add3A_29 = arith.constant 2047 : i32
    %add3A_30 = arith.addi %mul3A_28, %add3A_29 : i32
    %mul3A_31 = arith.constant 128 : i32
    %mul3A_32 = arith.muli %add3A_30, %mul3A_31 : i32
    %mul3A_33 = arith.constant 2048 : i32
    %mul3A_34 = arith.muli %add3A_26, %mul3A_33 : i32
    %add3A_35 = arith.constant 2046 : i32
    %add3A_36 = arith.addi %mul3A_34, %add3A_35 : i32
    %mul3A_37 = arith.constant 128 : i32
    %mul3A_38 = arith.muli %add3A_36, %mul3A_37 : i32
    %dma_start3A = arith.constant 0 : i32
    %dma_start3A_39 = tpu.memref_slice %arg7[%dma_start3A] : memref<1024xf32, #tpu.memory_space<vmem>> -> memref<128xf32, #tpu.memory_space<vmem>>
    %dma_start3A_40 = tpu.memref_slice %arg2[%mul3A_32] : memref<16777216xf32, #tpu.memory_space<hbm>> -> memref<128xf32, #tpu.memory_space<hbm>>
    %dma_start3A_41 = arith.constant 0 : i32
    %dma_start3A_42 = tpu.memref_slice %arg7[%dma_start3A_41] : memref<1024xf32, #tpu.memory_space<vmem>> -> memref<128xf32, #tpu.memory_space<vmem>>
    %dma_start3A_43 = tpu.memref_slice %arg2[%mul3A_32] : memref<16777216xf32, #tpu.memory_space<hbm>> -> memref<128xf32, #tpu.memory_space<hbm>>
    tpu.enqueue_dma source(%dma_start3A_43 : memref<128xf32, #tpu.memory_space<hbm>>) target(%dma_start3A_42 : memref<128xf32, #tpu.memory_space<vmem>>) target_semaphore(%arg11 : memref<!tpu.dma_semaphore, #tpu.memory_space<semaphore_mem>>)
    %dma_start3A_44 = arith.constant 128 : i32
    %dma_start3A_45 = tpu.memref_slice %arg7[%dma_start3A_44] : memref<1024xf32, #tpu.memory_space<vmem>> -> memref<128xf32, #tpu.memory_space<vmem>>
    %dma_start3A_46 = tpu.memref_slice %arg3[%mul3A_32] : memref<16777216xf32, #tpu.memory_space<hbm>> -> memref<128xf32, #tpu.memory_space<hbm>>
    %dma_start3A_47 = arith.constant 128 : i32
    %dma_start3A_48 = tpu.memref_slice %arg7[%dma_start3A_47] : memref<1024xf32, #tpu.memory_space<vmem>> -> memref<128xf32, #tpu.memory_space<vmem>>
    %dma_start3A_49 = tpu.memref_slice %arg3[%mul3A_32] : memref<16777216xf32, #tpu.memory_space<hbm>> -> memref<128xf32, #tpu.memory_space<hbm>>
    tpu.enqueue_dma source(%dma_start3A_49 : memref<128xf32, #tpu.memory_space<hbm>>) target(%dma_start3A_48 : memref<128xf32, #tpu.memory_space<vmem>>) target_semaphore(%arg11 : memref<!tpu.dma_semaphore, #tpu.memory_space<semaphore_mem>>)
    %dma_start3A_50 = arith.constant 256 : i32
    %dma_start3A_51 = tpu.memref_slice %arg7[%dma_start3A_50] : memref<1024xf32, #tpu.memory_space<vmem>> -> memref<128xf32, #tpu.memory_space<vmem>>
    %dma_start3A_52 = tpu.memref_slice %arg2[%mul3A_38] : memref<16777216xf32, #tpu.memory_space<hbm>> -> memref<128xf32, #tpu.memory_space<hbm>>
    %dma_start3A_53 = arith.constant 256 : i32
    %dma_start3A_54 = tpu.memref_slice %arg7[%dma_start3A_53] : memref<1024xf32, #tpu.memory_space<vmem>> -> memref<128xf32, #tpu.memory_space<vmem>>
    %dma_start3A_55 = tpu.memref_slice %arg2[%mul3A_38] : memref<16777216xf32, #tpu.memory_space<hbm>> -> memref<128xf32, #tpu.memory_space<hbm>>
    tpu.enqueue_dma source(%dma_start3A_55 : memref<128xf32, #tpu.memory_space<hbm>>) target(%dma_start3A_54 : memref<128xf32, #tpu.memory_space<vmem>>) target_semaphore(%arg11 : memref<!tpu.dma_semaphore, #tpu.memory_space<semaphore_mem>>)
    %dma_start3A_56 = arith.constant 384 : i32
    %dma_start3A_57 = tpu.memref_slice %arg7[%dma_start3A_56] : memref<1024xf32, #tpu.memory_space<vmem>> -> memref<128xf32, #tpu.memory_space<vmem>>
    %dma_start3A_58 = tpu.memref_slice %arg3[%mul3A_38] : memref<16777216xf32, #tpu.memory_space<hbm>> -> memref<128xf32, #tpu.memory_space<hbm>>
    %dma_start3A_59 = arith.constant 384 : i32
    %dma_start3A_60 = tpu.memref_slice %arg7[%dma_start3A_59] : memref<1024xf32, #tpu.memory_space<vmem>> -> memref<128xf32, #tpu.memory_space<vmem>>
    %dma_start3A_61 = tpu.memref_slice %arg3[%mul3A_38] : memref<16777216xf32, #tpu.memory_space<hbm>> -> memref<128xf32, #tpu.memory_space<hbm>>
    tpu.enqueue_dma source(%dma_start3A_61 : memref<128xf32, #tpu.memory_space<hbm>>) target(%dma_start3A_60 : memref<128xf32, #tpu.memory_space<vmem>>) target_semaphore(%arg11 : memref<!tpu.dma_semaphore, #tpu.memory_space<semaphore_mem>>)
    %add3A_62 = arith.constant 1 : i32
    %add3A_63 = arith.addi %mul3A_2, %add3A_62 : i32
    %mul3A_64 = arith.constant 2048 : i32
    %mul3A_65 = arith.muli %add3A_63, %mul3A_64 : i32
    %add3A_66 = arith.constant 2047 : i32
    %add3A_67 = arith.addi %mul3A_65, %add3A_66 : i32
    %mul3A_68 = arith.constant 128 : i32
    %mul3A_69 = arith.muli %add3A_67, %mul3A_68 : i32
    %mul3A_70 = arith.constant 2048 : i32
    %mul3A_71 = arith.muli %add3A_63, %mul3A_70 : i32
    %add3A_72 = arith.constant 2046 : i32
    %add3A_73 = arith.addi %mul3A_71, %add3A_72 : i32
    %mul3A_74 = arith.constant 128 : i32
    %mul3A_75 = arith.muli %add3A_73, %mul3A_74 : i32
    %dma_start3A_76 = arith.constant 512 : i32
    %dma_start3A_77 = tpu.memref_slice %arg7[%dma_start3A_76] : memref<1024xf32, #tpu.memory_space<vmem>> -> memref<128xf32, #tpu.memory_space<vmem>>
    %dma_start3A_78 = tpu.memref_slice %arg2[%mul3A_69] : memref<16777216xf32, #tpu.memory_space<hbm>> -> memref<128xf32, #tpu.memory_space<hbm>>
    %dma_start3A_79 = arith.constant 512 : i32
    %dma_start3A_80 = tpu.memref_slice %arg7[%dma_start3A_79] : memref<1024xf32, #tpu.memory_space<vmem>> -> memref<128xf32, #tpu.memory_space<vmem>>
    %dma_start3A_81 = tpu.memref_slice %arg2[%mul3A_69] : memref<16777216xf32, #tpu.memory_space<hbm>> -> memref<128xf32, #tpu.memory_space<hbm>>
    tpu.enqueue_dma source(%dma_start3A_81 : memref<128xf32, #tpu.memory_space<hbm>>) target(%dma_start3A_80 : memref<128xf32, #tpu.memory_space<vmem>>) target_semaphore(%arg11 : memref<!tpu.dma_semaphore, #tpu.memory_space<semaphore_mem>>)
    %dma_start3A_82 = arith.constant 640 : i32
    %dma_start3A_83 = tpu.memref_slice %arg7[%dma_start3A_82] : memref<1024xf32, #tpu.memory_space<vmem>> -> memref<128xf32, #tpu.memory_space<vmem>>
    %dma_start3A_84 = tpu.memref_slice %arg3[%mul3A_69] : memref<16777216xf32, #tpu.memory_space<hbm>> -> memref<128xf32, #tpu.memory_space<hbm>>
    %dma_start3A_85 = arith.constant 640 : i32
    %dma_start3A_86 = tpu.memref_slice %arg7[%dma_start3A_85] : memref<1024xf32, #tpu.memory_space<vmem>> -> memref<128xf32, #tpu.memory_space<vmem>>
    %dma_start3A_87 = tpu.memref_slice %arg3[%mul3A_69] : memref<16777216xf32, #tpu.memory_space<hbm>> -> memref<128xf32, #tpu.memory_space<hbm>>
    tpu.enqueue_dma source(%dma_start3A_87 : memref<128xf32, #tpu.memory_space<hbm>>) target(%dma_start3A_86 : memref<128xf32, #tpu.memory_space<vmem>>) target_semaphore(%arg11 : memref<!tpu.dma_semaphore, #tpu.memory_space<semaphore_mem>>)
    %dma_start3A_88 = arith.constant 768 : i32
    %dma_start3A_89 = tpu.memref_slice %arg7[%dma_start3A_88] : memref<1024xf32, #tpu.memory_space<vmem>> -> memref<128xf32, #tpu.memory_space<vmem>>
    %dma_start3A_90 = tpu.memref_slice %arg2[%mul3A_75] : memref<16777216xf32, #tpu.memory_space<hbm>> -> memref<128xf32, #tpu.memory_space<hbm>>
    %dma_start3A_91 = arith.constant 768 : i32
    %dma_start3A_92 = tpu.memref_slice %arg7[%dma_start3A_91] : memref<1024xf32, #tpu.memory_space<vmem>> -> memref<128xf32, #tpu.memory_space<vmem>>
    %dma_start3A_93 = tpu.memref_slice %arg2[%mul3A_75] : memref<16777216xf32, #tpu.memory_space<hbm>> -> memref<128xf32, #tpu.memory_space<hbm>>
    tpu.enqueue_dma source(%dma_start3A_93 : memref<128xf32, #tpu.memory_space<hbm>>) target(%dma_start3A_92 : memref<128xf32, #tpu.memory_space<vmem>>) target_semaphore(%arg11 : memref<!tpu.dma_semaphore, #tpu.memory_space<semaphore_mem>>)
    %dma_start3A_94 = arith.constant 896 : i32
    %dma_start3A_95 = tpu.memref_slice %arg7[%dma_start3A_94] : memref<1024xf32, #tpu.memory_space<vmem>> -> memref<128xf32, #tpu.memory_space<vmem>>
    %dma_start3A_96 = tpu.memref_slice %arg3[%mul3A_75] : memref<16777216xf32, #tpu.memory_space<hbm>> -> memref<128xf32, #tpu.memory_space<hbm>>
    %dma_start3A_97 = arith.constant 896 : i32
    %dma_start3A_98 = tpu.memref_slice %arg7[%dma_start3A_97] : memref<1024xf32, #tpu.memory_space<vmem>> -> memref<128xf32, #tpu.memory_space<vmem>>
    %dma_start3A_99 = tpu.memref_slice %arg3[%mul3A_75] : memref<16777216xf32, #tpu.memory_space<hbm>> -> memref<128xf32, #tpu.memory_space<hbm>>
    tpu.enqueue_dma source(%dma_start3A_99 : memref<128xf32, #tpu.memory_space<hbm>>) target(%dma_start3A_98 : memref<128xf32, #tpu.memory_space<vmem>>) target_semaphore(%arg11 : memref<!tpu.dma_semaphore, #tpu.memory_space<semaphore_mem>>)
    %dma_wait3A = arith.constant 0 : i32
    %dma_wait3A_100 = tpu.memref_slice %arg6[%dma_wait3A] : memref<4096xf32, #tpu.memory_space<vmem>> -> memref<2048xf32, #tpu.memory_space<vmem>>
    %dma_wait3A_101 = arith.constant 0 : i32
    %dma_wait3A_102 = tpu.memref_slice %arg5[%dma_wait3A_101] : memref<4096xi32, #tpu.memory_space<vmem>> -> memref<2048xi32, #tpu.memory_space<vmem>>
    %dma_wait3A_103 = arith.constant 0 : i32
    %dma_wait3A_104 = tpu.memref_slice %arg3[%dma_wait3A_103] : memref<16777216xf32, #tpu.memory_space<hbm>> -> memref<16777216xf32, #tpu.memory_space<hbm>>
    tpu.wait_indirect_dma semaphore(%arg9 : memref<!tpu.dma_semaphore, #tpu.memory_space<semaphore_mem>>) src(%dma_wait3A_104 : memref<16777216xf32, #tpu.memory_space<hbm>>) dst(%dma_wait3A_100 : memref<2048xf32, #tpu.memory_space<vmem>>)
    %broadcast_in_dim3A = arith.constant 0 : i32
    %broadcast_in_dim3A_105 = vector.broadcast %broadcast_in_dim3A : i32 to vector<16xi32>
    %scan3A_106 = arith.constant 0 : i32
    %scan3A_107 = arith.constant 16 : i32
    %scan3A_108 = arith.addi %scan3A_106, %scan3A_107 : i32
    %scan3A_109 = arith.constant 1 : i32
    %scan3A_110 = scf.for %scan3A_640 = %scan3A_106 to %scan3A_108 step %scan3A_109 iter_args(%scan3A_641 = %broadcast_in_dim3A_105) -> (vector<16xi32>)  : i32 {
      %mul3A_642 = arith.constant 128 : i32
      %mul3A_643 = arith.muli %scan3A_640, %mul3A_642 : i32
      %add3A_644 = arith.constant 0 : i32
      %add3A_645 = arith.addi %add3A_644, %mul3A_643 : i32
      %add3A_646 = arith.constant 0 : i32
      %add3A_647 = arith.addi %add3A_645, %add3A_646 : i32
      %get3A_648 = arith.index_cast %add3A_647 : i32 to index
      %get3A_649 = tpu.vector_load %arg6[%get3A_648] {strides = array<i32>} : memref<4096xf32, #tpu.memory_space<vmem>>, vector<16xf32>,
      %ne3A_650 = arith.constant 0.000000e+00 : f32
      %ne3A_651 = vector.broadcast %ne3A_650 : f32 to vector<16xf32>
      %ne3A_652 = arith.cmpf one, %get3A_649, %ne3A_651 : vector<16xf32>
      %jit3A_653 = arith.constant 1 : i32
      %jit3A_654 = arith.constant 0 : i32
      %broadcast_in_dim3A_655 = vector.broadcast %jit3A_653 : i32 to vector<16xi32>
      %broadcast_in_dim3A_656 = vector.broadcast %jit3A_654 : i32 to vector<16xi32>
      %select_n3A_657 = arith.select %ne3A_652, %broadcast_in_dim3A_655, %broadcast_in_dim3A_656 : vector<16xi1>, vector<16xi32>
      %add3A_658 = arith.addi %scan3A_641, %select_n3A_657 : vector<16xi32>
      %add3A_659 = arith.constant 16 : i32
      %add3A_660 = arith.addi %add3A_645, %add3A_659 : i32
      %get3A_661 = arith.index_cast %add3A_660 : i32 to index
      %get3A_662 = tpu.vector_load %arg6[%get3A_661] {strides = array<i32>} : memref<4096xf32, #tpu.memory_space<vmem>>, vector<16xf32>,
      %ne3A_663 = arith.constant 0.000000e+00 : f32
      %ne3A_664 = vector.broadcast %ne3A_663 : f32 to vector<16xf32>
      %ne3A_665 = arith.cmpf one, %get3A_662, %ne3A_664 : vector<16xf32>
      %jit3A_666 = arith.constant 1 : i32
      %jit3A_667 = arith.constant 0 : i32
      %broadcast_in_dim3A_668 = vector.broadcast %jit3A_666 : i32 to vector<16xi32>
      %broadcast_in_dim3A_669 = vector.broadcast %jit3A_667 : i32 to vector<16xi32>
      %select_n3A_670 = arith.select %ne3A_665, %broadcast_in_dim3A_668, %broadcast_in_dim3A_669 : vector<16xi1>, vector<16xi32>
      %add3A_671 = arith.addi %add3A_658, %select_n3A_670 : vector<16xi32>
      %add3A_672 = arith.constant 32 : i32
      %add3A_673 = arith.addi %add3A_645, %add3A_672 : i32
      %get3A_674 = arith.index_cast %add3A_673 : i32 to index
      %get3A_675 = tpu.vector_load %arg6[%get3A_674] {strides = array<i32>} : memref<4096xf32, #tpu.memory_space<vmem>>, vector<16xf32>,
      %ne3A_676 = arith.constant 0.000000e+00 : f32
      %ne3A_677 = vector.broadcast %ne3A_676 : f32 to vector<16xf32>
      %ne3A_678 = arith.cmpf one, %get3A_675, %ne3A_677 : vector<16xf32>
      %jit3A_679 = arith.constant 1 : i32
      %jit3A_680 = arith.constant 0 : i32
      %broadcast_in_dim3A_681 = vector.broadcast %jit3A_679 : i32 to vector<16xi32>
      %broadcast_in_dim3A_682 = vector.broadcast %jit3A_680 : i32 to vector<16xi32>
      %select_n3A_683 = arith.select %ne3A_678, %broadcast_in_dim3A_681, %broadcast_in_dim3A_682 : vector<16xi1>, vector<16xi32>
      %add3A_684 = arith.addi %add3A_671, %select_n3A_683 : vector<16xi32>
      %add3A_685 = arith.constant 48 : i32
      %add3A_686 = arith.addi %add3A_645, %add3A_685 : i32
      %get3A_687 = arith.index_cast %add3A_686 : i32 to index
      %get3A_688 = tpu.vector_load %arg6[%get3A_687] {strides = array<i32>} : memref<4096xf32, #tpu.memory_space<vmem>>, vector<16xf32>,
      %ne3A_689 = arith.constant 0.000000e+00 : f32
      %ne3A_690 = vector.broadcast %ne3A_689 : f32 to vector<16xf32>
      %ne3A_691 = arith.cmpf one, %get3A_688, %ne3A_690 : vector<16xf32>
      %jit3A_692 = arith.constant 1 : i32
      %jit3A_693 = arith.constant 0 : i32
      %broadcast_in_dim3A_694 = vector.broadcast %jit3A_692 : i32 to vector<16xi32>
      %broadcast_in_dim3A_695 = vector.broadcast %jit3A_693 : i32 to vector<16xi32>
      %select_n3A_696 = arith.select %ne3A_691, %broadcast_in_dim3A_694, %broadcast_in_dim3A_695 : vector<16xi1>, vector<16xi32>
      %add3A_697 = arith.addi %add3A_684, %select_n3A_696 : vector<16xi32>
      %add3A_698 = arith.constant 64 : i32
      %add3A_699 = arith.addi %add3A_645, %add3A_698 : i32
      %get3A_700 = arith.index_cast %add3A_699 : i32 to index
      %get3A_701 = tpu.vector_load %arg6[%get3A_700] {strides = array<i32>} : memref<4096xf32, #tpu.memory_space<vmem>>, vector<16xf32>,
      %ne3A_702 = arith.constant 0.000000e+00 : f32
      %ne3A_703 = vector.broadcast %ne3A_702 : f32 to vector<16xf32>
      %ne3A_704 = arith.cmpf one, %get3A_701, %ne3A_703 : vector<16xf32>
      %jit3A_705 = arith.constant 1 : i32
      %jit3A_706 = arith.constant 0 : i32
      %broadcast_in_dim3A_707 = vector.broadcast %jit3A_705 : i32 to vector<16xi32>
      %broadcast_in_dim3A_708 = vector.broadcast %jit3A_706 : i32 to vector<16xi32>
      %select_n3A_709 = arith.select %ne3A_704, %broadcast_in_dim3A_707, %broadcast_in_dim3A_708 : vector<16xi1>, vector<16xi32>
      %add3A_710 = arith.addi %add3A_697, %select_n3A_709 : vector<16xi32>
      %add3A_711 = arith.constant 80 : i32
      %add3A_712 = arith.addi %add3A_645, %add3A_711 : i32
      %get3A_713 = arith.index_cast %add3A_712 : i32 to index
      %get3A_714 = tpu.vector_load %arg6[%get3A_713] {strides = array<i32>} : memref<4096xf32, #tpu.memory_space<vmem>>, vector<16xf32>,
      %ne3A_715 = arith.constant 0.000000e+00 : f32
      %ne3A_716 = vector.broadcast %ne3A_715 : f32 to vector<16xf32>
      %ne3A_717 = arith.cmpf one, %get3A_714, %ne3A_716 : vector<16xf32>
      %jit3A_718 = arith.constant 1 : i32
      %jit3A_719 = arith.constant 0 : i32
      %broadcast_in_dim3A_720 = vector.broadcast %jit3A_718 : i32 to vector<16xi32>
      %broadcast_in_dim3A_721 = vector.broadcast %jit3A_719 : i32 to vector<16xi32>
      %select_n3A_722 = arith.select %ne3A_717, %broadcast_in_dim3A_720, %broadcast_in_dim3A_721 : vector<16xi1>, vector<16xi32>
      %add3A_723 = arith.addi %add3A_710, %select_n3A_722 : vector<16xi32>
      %add3A_724 = arith.constant 96 : i32
      %add3A_725 = arith.addi %add3A_645, %add3A_724 : i32
      %get3A_726 = arith.index_cast %add3A_725 : i32 to index
      %get3A_727 = tpu.vector_load %arg6[%get3A_726] {strides = array<i32>} : memref<4096xf32, #tpu.memory_space<vmem>>, vector<16xf32>,
      %ne3A_728 = arith.constant 0.000000e+00 : f32
      %ne3A_729 = vector.broadcast %ne3A_728 : f32 to vector<16xf32>
      %ne3A_730 = arith.cmpf one, %get3A_727, %ne3A_729 : vector<16xf32>
      %jit3A_731 = arith.constant 1 : i32
      %jit3A_732 = arith.constant 0 : i32
      %broadcast_in_dim3A_733 = vector.broadcast %jit3A_731 : i32 to vector<16xi32>
      %broadcast_in_dim3A_734 = vector.broadcast %jit3A_732 : i32 to vector<16xi32>
      %select_n3A_735 = arith.select %ne3A_730, %broadcast_in_dim3A_733, %broadcast_in_dim3A_734 : vector<16xi1>, vector<16xi32>
      %add3A_736 = arith.addi %add3A_723, %select_n3A_735 : vector<16xi32>
      %add3A_737 = arith.constant 112 : i32
      %add3A_738 = arith.addi %add3A_645, %add3A_737 : i32
      %get3A_739 = arith.index_cast %add3A_738 : i32 to index
      %get3A_740 = tpu.vector_load %arg6[%get3A_739] {strides = array<i32>} : memref<4096xf32, #tpu.memory_space<vmem>>, vector<16xf32>,
      %ne3A_741 = arith.constant 0.000000e+00 : f32
      %ne3A_742 = vector.broadcast %ne3A_741 : f32 to vector<16xf32>
      %ne3A_743 = arith.cmpf one, %get3A_740, %ne3A_742 : vector<16xf32>
      %jit3A_744 = arith.constant 1 : i32
      %jit3A_745 = arith.constant 0 : i32
      %broadcast_in_dim3A_746 = vector.broadcast %jit3A_744 : i32 to vector<16xi32>
      %broadcast_in_dim3A_747 = vector.broadcast %jit3A_745 : i32 to vector<16xi32>
      %select_n3A_748 = arith.select %ne3A_743, %broadcast_in_dim3A_746, %broadcast_in_dim3A_747 : vector<16xi1>, vector<16xi32>
      %add3A_749 = arith.addi %add3A_736, %select_n3A_748 : vector<16xi32>
      scf.yield %add3A_749 : vector<16xi32>
    }
    %scan3A_111 = arith.constant 16 : i32
    %reduce_sum3A = arith.constant true
    %reduce_sum3A_112 = vector.broadcast %reduce_sum3A : i1 to vector<16xi1>
    %reduce_sum3A_113 = tpu.scan <sum>, %scan3A_110 masked %reduce_sum3A_112 : vector<16xi32>, vector<16xi1> -> vector<16xi32>
    %reduce_sum3A_114 = vector.extract %reduce_sum3A_113[15] : i32 from vector<16xi32>
    %eq3A = arith.constant 0 : i32
    %eq3A_115 = arith.cmpi eq, %reduce_sum3A_114, %eq3A : i32
    %sub3A = arith.constant 1 : i32
    %sub3A_116 = arith.subi %reduce_sum3A_114, %sub3A : i32
    %jit3A = arith.constant 2047 : i32
    %select_n3A = arith.select %eq3A_115, %jit3A, %sub3A_116 : i32
    %dma_wait3A_117 = arith.constant 2048 : i32
    %dma_wait3A_118 = tpu.memref_slice %arg6[%dma_wait3A_117] : memref<4096xf32, #tpu.memory_space<vmem>> -> memref<2048xf32, #tpu.memory_space<vmem>>
    %dma_wait3A_119 = arith.constant 2048 : i32
    %dma_wait3A_120 = tpu.memref_slice %arg5[%dma_wait3A_119] : memref<4096xi32, #tpu.memory_space<vmem>> -> memref<2048xi32, #tpu.memory_space<vmem>>
    %dma_wait3A_121 = arith.constant 0 : i32
    %dma_wait3A_122 = tpu.memref_slice %arg3[%dma_wait3A_121] : memref<16777216xf32, #tpu.memory_space<hbm>> -> memref<16777216xf32, #tpu.memory_space<hbm>>
    tpu.wait_indirect_dma semaphore(%arg10 : memref<!tpu.dma_semaphore, #tpu.memory_space<semaphore_mem>>) src(%dma_wait3A_122 : memref<16777216xf32, #tpu.memory_space<hbm>>) dst(%dma_wait3A_118 : memref<2048xf32, #tpu.memory_space<vmem>>)
    %broadcast_in_dim3A_123 = arith.constant 0 : i32
    %broadcast_in_dim3A_124 = vector.broadcast %broadcast_in_dim3A_123 : i32 to vector<16xi32>
    %scan3A_125 = arith.constant 0 : i32
    %scan3A_126 = arith.constant 16 : i32
    %scan3A_127 = arith.addi %scan3A_125, %scan3A_126 : i32
    %scan3A_128 = arith.constant 1 : i32
    %scan3A_129 = scf.for %scan3A_640 = %scan3A_125 to %scan3A_127 step %scan3A_128 iter_args(%scan3A_641 = %broadcast_in_dim3A_124) -> (vector<16xi32>)  : i32 {
      %mul3A_642 = arith.constant 128 : i32
      %mul3A_643 = arith.muli %scan3A_640, %mul3A_642 : i32
      %add3A_644 = arith.constant 2048 : i32
      %add3A_645 = arith.addi %add3A_644, %mul3A_643 : i32
      %add3A_646 = arith.constant 0 : i32
      %add3A_647 = arith.addi %add3A_645, %add3A_646 : i32
      %get3A_648 = arith.index_cast %add3A_647 : i32 to index
      %get3A_649 = tpu.vector_load %arg6[%get3A_648] {strides = array<i32>} : memref<4096xf32, #tpu.memory_space<vmem>>, vector<16xf32>,
      %ne3A_650 = arith.constant 0.000000e+00 : f32
      %ne3A_651 = vector.broadcast %ne3A_650 : f32 to vector<16xf32>
      %ne3A_652 = arith.cmpf one, %get3A_649, %ne3A_651 : vector<16xf32>
      %jit3A_653 = arith.constant 1 : i32
      %jit3A_654 = arith.constant 0 : i32
      %broadcast_in_dim3A_655 = vector.broadcast %jit3A_653 : i32 to vector<16xi32>
      %broadcast_in_dim3A_656 = vector.broadcast %jit3A_654 : i32 to vector<16xi32>
      %select_n3A_657 = arith.select %ne3A_652, %broadcast_in_dim3A_655, %broadcast_in_dim3A_656 : vector<16xi1>, vector<16xi32>
      %add3A_658 = arith.addi %scan3A_641, %select_n3A_657 : vector<16xi32>
      %add3A_659 = arith.constant 16 : i32
      %add3A_660 = arith.addi %add3A_645, %add3A_659 : i32
      %get3A_661 = arith.index_cast %add3A_660 : i32 to index
      %get3A_662 = tpu.vector_load %arg6[%get3A_661] {strides = array<i32>} : memref<4096xf32, #tpu.memory_space<vmem>>, vector<16xf32>,
      %ne3A_663 = arith.constant 0.000000e+00 : f32
      %ne3A_664 = vector.broadcast %ne3A_663 : f32 to vector<16xf32>
      %ne3A_665 = arith.cmpf one, %get3A_662, %ne3A_664 : vector<16xf32>
      %jit3A_666 = arith.constant 1 : i32
      %jit3A_667 = arith.constant 0 : i32
      %broadcast_in_dim3A_668 = vector.broadcast %jit3A_666 : i32 to vector<16xi32>
      %broadcast_in_dim3A_669 = vector.broadcast %jit3A_667 : i32 to vector<16xi32>
      %select_n3A_670 = arith.select %ne3A_665, %broadcast_in_dim3A_668, %broadcast_in_dim3A_669 : vector<16xi1>, vector<16xi32>
      %add3A_671 = arith.addi %add3A_658, %select_n3A_670 : vector<16xi32>
      %add3A_672 = arith.constant 32 : i32
      %add3A_673 = arith.addi %add3A_645, %add3A_672 : i32
      %get3A_674 = arith.index_cast %add3A_673 : i32 to index
      %get3A_675 = tpu.vector_load %arg6[%get3A_674] {strides = array<i32>} : memref<4096xf32, #tpu.memory_space<vmem>>, vector<16xf32>,
      %ne3A_676 = arith.constant 0.000000e+00 : f32
      %ne3A_677 = vector.broadcast %ne3A_676 : f32 to vector<16xf32>
      %ne3A_678 = arith.cmpf one, %get3A_675, %ne3A_677 : vector<16xf32>
      %jit3A_679 = arith.constant 1 : i32
      %jit3A_680 = arith.constant 0 : i32
      %broadcast_in_dim3A_681 = vector.broadcast %jit3A_679 : i32 to vector<16xi32>
      %broadcast_in_dim3A_682 = vector.broadcast %jit3A_680 : i32 to vector<16xi32>
      %select_n3A_683 = arith.select %ne3A_678, %broadcast_in_dim3A_681, %broadcast_in_dim3A_682 : vector<16xi1>, vector<16xi32>
      %add3A_684 = arith.addi %add3A_671, %select_n3A_683 : vector<16xi32>
      %add3A_685 = arith.constant 48 : i32
      %add3A_686 = arith.addi %add3A_645, %add3A_685 : i32
      %get3A_687 = arith.index_cast %add3A_686 : i32 to index
      %get3A_688 = tpu.vector_load %arg6[%get3A_687] {strides = array<i32>} : memref<4096xf32, #tpu.memory_space<vmem>>, vector<16xf32>,
      %ne3A_689 = arith.constant 0.000000e+00 : f32
      %ne3A_690 = vector.broadcast %ne3A_689 : f32 to vector<16xf32>
      %ne3A_691 = arith.cmpf one, %get3A_688, %ne3A_690 : vector<16xf32>
      %jit3A_692 = arith.constant 1 : i32
      %jit3A_693 = arith.constant 0 : i32
      %broadcast_in_dim3A_694 = vector.broadcast %jit3A_692 : i32 to vector<16xi32>
      %broadcast_in_dim3A_695 = vector.broadcast %jit3A_693 : i32 to vector<16xi32>
      %select_n3A_696 = arith.select %ne3A_691, %broadcast_in_dim3A_694, %broadcast_in_dim3A_695 : vector<16xi1>, vector<16xi32>
      %add3A_697 = arith.addi %add3A_684, %select_n3A_696 : vector<16xi32>
      %add3A_698 = arith.constant 64 : i32
      %add3A_699 = arith.addi %add3A_645, %add3A_698 : i32
      %get3A_700 = arith.index_cast %add3A_699 : i32 to index
      %get3A_701 = tpu.vector_load %arg6[%get3A_700] {strides = array<i32>} : memref<4096xf32, #tpu.memory_space<vmem>>, vector<16xf32>,
      %ne3A_702 = arith.constant 0.000000e+00 : f32
      %ne3A_703 = vector.broadcast %ne3A_702 : f32 to vector<16xf32>
      %ne3A_704 = arith.cmpf one, %get3A_701, %ne3A_703 : vector<16xf32>
      %jit3A_705 = arith.constant 1 : i32
      %jit3A_706 = arith.constant 0 : i32
      %broadcast_in_dim3A_707 = vector.broadcast %jit3A_705 : i32 to vector<16xi32>
      %broadcast_in_dim3A_708 = vector.broadcast %jit3A_706 : i32 to vector<16xi32>
      %select_n3A_709 = arith.select %ne3A_704, %broadcast_in_dim3A_707, %broadcast_in_dim3A_708 : vector<16xi1>, vector<16xi32>
      %add3A_710 = arith.addi %add3A_697, %select_n3A_709 : vector<16xi32>
      %add3A_711 = arith.constant 80 : i32
      %add3A_712 = arith.addi %add3A_645, %add3A_711 : i32
      %get3A_713 = arith.index_cast %add3A_712 : i32 to index
      %get3A_714 = tpu.vector_load %arg6[%get3A_713] {strides = array<i32>} : memref<4096xf32, #tpu.memory_space<vmem>>, vector<16xf32>,
      %ne3A_715 = arith.constant 0.000000e+00 : f32
      %ne3A_716 = vector.broadcast %ne3A_715 : f32 to vector<16xf32>
      %ne3A_717 = arith.cmpf one, %get3A_714, %ne3A_716 : vector<16xf32>
      %jit3A_718 = arith.constant 1 : i32
      %jit3A_719 = arith.constant 0 : i32
      %broadcast_in_dim3A_720 = vector.broadcast %jit3A_718 : i32 to vector<16xi32>
      %broadcast_in_dim3A_721 = vector.broadcast %jit3A_719 : i32 to vector<16xi32>
      %select_n3A_722 = arith.select %ne3A_717, %broadcast_in_dim3A_720, %broadcast_in_dim3A_721 : vector<16xi1>, vector<16xi32>
      %add3A_723 = arith.addi %add3A_710, %select_n3A_722 : vector<16xi32>
      %add3A_724 = arith.constant 96 : i32
      %add3A_725 = arith.addi %add3A_645, %add3A_724 : i32
      %get3A_726 = arith.index_cast %add3A_725 : i32 to index
      %get3A_727 = tpu.vector_load %arg6[%get3A_726] {strides = array<i32>} : memref<4096xf32, #tpu.memory_space<vmem>>, vector<16xf32>,
      %ne3A_728 = arith.constant 0.000000e+00 : f32
      %ne3A_729 = vector.broadcast %ne3A_728 : f32 to vector<16xf32>
      %ne3A_730 = arith.cmpf one, %get3A_727, %ne3A_729 : vector<16xf32>
      %jit3A_731 = arith.constant 1 : i32
      %jit3A_732 = arith.constant 0 : i32
      %broadcast_in_dim3A_733 = vector.broadcast %jit3A_731 : i32 to vector<16xi32>
      %broadcast_in_dim3A_734 = vector.broadcast %jit3A_732 : i32 to vector<16xi32>
      %select_n3A_735 = arith.select %ne3A_730, %broadcast_in_dim3A_733, %broadcast_in_dim3A_734 : vector<16xi1>, vector<16xi32>
      %add3A_736 = arith.addi %add3A_723, %select_n3A_735 : vector<16xi32>
      %add3A_737 = arith.constant 112 : i32
      %add3A_738 = arith.addi %add3A_645, %add3A_737 : i32
      %get3A_739 = arith.index_cast %add3A_738 : i32 to index
      %get3A_740 = tpu.vector_load %arg6[%get3A_739] {strides = array<i32>} : memref<4096xf32, #tpu.memory_space<vmem>>, vector<16xf32>,
      %ne3A_741 = arith.constant 0.000000e+00 : f32
      %ne3A_742 = vector.broadcast %ne3A_741 : f32 to vector<16xf32>
      %ne3A_743 = arith.cmpf one, %get3A_740, %ne3A_742 : vector<16xf32>
      %jit3A_744 = arith.constant 1 : i32
      %jit3A_745 = arith.constant 0 : i32
      %broadcast_in_dim3A_746 = vector.broadcast %jit3A_744 : i32 to vector<16xi32>
      %broadcast_in_dim3A_747 = vector.broadcast %jit3A_745 : i32 to vector<16xi32>
      %select_n3A_748 = arith.select %ne3A_743, %broadcast_in_dim3A_746, %broadcast_in_dim3A_747 : vector<16xi1>, vector<16xi32>
      %add3A_749 = arith.addi %add3A_736, %select_n3A_748 : vector<16xi32>
      scf.yield %add3A_749 : vector<16xi32>
    }
    %scan3A_130 = arith.constant 16 : i32
    %reduce_sum3A_131 = arith.constant true
    %reduce_sum3A_132 = vector.broadcast %reduce_sum3A_131 : i1 to vector<16xi1>
    %reduce_sum3A_133 = tpu.scan <sum>, %scan3A_129 masked %reduce_sum3A_132 : vector<16xi32>, vector<16xi1> -> vector<16xi32>
    %reduce_sum3A_134 = vector.extract %reduce_sum3A_133[15] : i32 from vector<16xi32>
    %eq3A_135 = arith.constant 0 : i32
    %eq3A_136 = arith.cmpi eq, %reduce_sum3A_134, %eq3A_135 : i32
    %sub3A_137 = arith.constant 1 : i32
    %sub3A_138 = arith.subi %reduce_sum3A_134, %sub3A_137 : i32
    %jit3A_139 = arith.constant 2047 : i32
    %select_n3A_140 = arith.select %eq3A_136, %jit3A_139, %sub3A_138 : i32
    %add3A_141 = arith.constant 0 : i32
    %add3A_142 = arith.addi %mul3A_2, %add3A_141 : i32
    %mul3A_143 = arith.constant 2048 : i32
    %mul3A_144 = arith.muli %add3A_142, %mul3A_143 : i32
    %mul3A_145 = arith.constant 128 : i32
    %mul3A_146 = arith.muli %mul3A_144, %mul3A_145 : i32
    %dma_wait3A_147 = arith.constant 0 : i32
    %dma_wait3A_148 = tpu.memref_slice %arg7[%dma_wait3A_147] : memref<1024xf32, #tpu.memory_space<vmem>> -> memref<128xf32, #tpu.memory_space<vmem>>
    %dma_wait3A_149 = tpu.memref_slice %arg2[%mul3A_146] : memref<16777216xf32, #tpu.memory_space<hbm>> -> memref<128xf32, #tpu.memory_space<hbm>>
    %dma_wait3A_150 = arith.constant 0 : i32
    %dma_wait3A_151 = tpu.memref_slice %arg7[%dma_wait3A_150] : memref<1024xf32, #tpu.memory_space<vmem>> -> memref<128xf32, #tpu.memory_space<vmem>>
    %dma_wait3A_152 = tpu.memref_slice %arg2[%mul3A_146] : memref<16777216xf32, #tpu.memory_space<hbm>> -> memref<128xf32, #tpu.memory_space<hbm>>
    tpu.wait_dma2 semaphore(%arg11 : memref<!tpu.dma_semaphore, #tpu.memory_space<semaphore_mem>>) src(%dma_wait3A_152 : memref<128xf32, #tpu.memory_space<hbm>>) dst(%dma_wait3A_151 : memref<128xf32, #tpu.memory_space<vmem>>)
    %dma_wait3A_153 = arith.constant 128 : i32
    %dma_wait3A_154 = tpu.memref_slice %arg7[%dma_wait3A_153] : memref<1024xf32, #tpu.memory_space<vmem>> -> memref<128xf32, #tpu.memory_space<vmem>>
    %dma_wait3A_155 = tpu.memref_slice %arg2[%mul3A_146] : memref<16777216xf32, #tpu.memory_space<hbm>> -> memref<128xf32, #tpu.memory_space<hbm>>
    %dma_wait3A_156 = arith.constant 128 : i32
    %dma_wait3A_157 = tpu.memref_slice %arg7[%dma_wait3A_156] : memref<1024xf32, #tpu.memory_space<vmem>> -> memref<128xf32, #tpu.memory_space<vmem>>
    %dma_wait3A_158 = tpu.memref_slice %arg2[%mul3A_146] : memref<16777216xf32, #tpu.memory_space<hbm>> -> memref<128xf32, #tpu.memory_space<hbm>>
    tpu.wait_dma2 semaphore(%arg11 : memref<!tpu.dma_semaphore, #tpu.memory_space<semaphore_mem>>) src(%dma_wait3A_158 : memref<128xf32, #tpu.memory_space<hbm>>) dst(%dma_wait3A_157 : memref<128xf32, #tpu.memory_space<vmem>>)
    %dma_wait3A_159 = arith.constant 256 : i32
    %dma_wait3A_160 = tpu.memref_slice %arg7[%dma_wait3A_159] : memref<1024xf32, #tpu.memory_space<vmem>> -> memref<128xf32, #tpu.memory_space<vmem>>
    %dma_wait3A_161 = tpu.memref_slice %arg2[%mul3A_146] : memref<16777216xf32, #tpu.memory_space<hbm>> -> memref<128xf32, #tpu.memory_space<hbm>>
    %dma_wait3A_162 = arith.constant 256 : i32
    %dma_wait3A_163 = tpu.memref_slice %arg7[%dma_wait3A_162] : memref<1024xf32, #tpu.memory_space<vmem>> -> memref<128xf32, #tpu.memory_space<vmem>>
    %dma_wait3A_164 = tpu.memref_slice %arg2[%mul3A_146] : memref<16777216xf32, #tpu.memory_space<hbm>> -> memref<128xf32, #tpu.memory_space<hbm>>
    tpu.wait_dma2 semaphore(%arg11 : memref<!tpu.dma_semaphore, #tpu.memory_space<semaphore_mem>>) src(%dma_wait3A_164 : memref<128xf32, #tpu.memory_space<hbm>>) dst(%dma_wait3A_163 : memref<128xf32, #tpu.memory_space<vmem>>)
    %dma_wait3A_165 = arith.constant 384 : i32
    %dma_wait3A_166 = tpu.memref_slice %arg7[%dma_wait3A_165] : memref<1024xf32, #tpu.memory_space<vmem>> -> memref<128xf32, #tpu.memory_space<vmem>>
    %dma_wait3A_167 = tpu.memref_slice %arg2[%mul3A_146] : memref<16777216xf32, #tpu.memory_space<hbm>> -> memref<128xf32, #tpu.memory_space<hbm>>
    %dma_wait3A_168 = arith.constant 384 : i32
    %dma_wait3A_169 = tpu.memref_slice %arg7[%dma_wait3A_168] : memref<1024xf32, #tpu.memory_space<vmem>> -> memref<128xf32, #tpu.memory_space<vmem>>
    %dma_wait3A_170 = tpu.memref_slice %arg2[%mul3A_146] : memref<16777216xf32, #tpu.memory_space<hbm>> -> memref<128xf32, #tpu.memory_space<hbm>>
    tpu.wait_dma2 semaphore(%arg11 : memref<!tpu.dma_semaphore, #tpu.memory_space<semaphore_mem>>) src(%dma_wait3A_170 : memref<128xf32, #tpu.memory_space<hbm>>) dst(%dma_wait3A_169 : memref<128xf32, #tpu.memory_space<vmem>>)
    %add3A_171 = arith.constant 1 : i32
    %add3A_172 = arith.addi %mul3A_2, %add3A_171 : i32
    %mul3A_173 = arith.constant 2048 : i32
    %mul3A_174 = arith.muli %add3A_172, %mul3A_173 : i32
    %mul3A_175 = arith.constant 128 : i32
    %mul3A_176 = arith.muli %mul3A_174, %mul3A_175 : i32
    %dma_wait3A_177 = arith.constant 512 : i32
    %dma_wait3A_178 = tpu.memref_slice %arg7[%dma_wait3A_177] : memref<1024xf32, #tpu.memory_space<vmem>> -> memref<128xf32, #tpu.memory_space<vmem>>
    %dma_wait3A_179 = tpu.memref_slice %arg2[%mul3A_176] : memref<16777216xf32, #tpu.memory_space<hbm>> -> memref<128xf32, #tpu.memory_space<hbm>>
    %dma_wait3A_180 = arith.constant 512 : i32
    %dma_wait3A_181 = tpu.memref_slice %arg7[%dma_wait3A_180] : memref<1024xf32, #tpu.memory_space<vmem>> -> memref<128xf32, #tpu.memory_space<vmem>>
    %dma_wait3A_182 = tpu.memref_slice %arg2[%mul3A_176] : memref<16777216xf32, #tpu.memory_space<hbm>> -> memref<128xf32, #tpu.memory_space<hbm>>
    tpu.wait_dma2 semaphore(%arg11 : memref<!tpu.dma_semaphore, #tpu.memory_space<semaphore_mem>>) src(%dma_wait3A_182 : memref<128xf32, #tpu.memory_space<hbm>>) dst(%dma_wait3A_181 : memref<128xf32, #tpu.memory_space<vmem>>)
    %dma_wait3A_183 = arith.constant 640 : i32
    %dma_wait3A_184 = tpu.memref_slice %arg7[%dma_wait3A_183] : memref<1024xf32, #tpu.memory_space<vmem>> -> memref<128xf32, #tpu.memory_space<vmem>>
    %dma_wait3A_185 = tpu.memref_slice %arg2[%mul3A_176] : memref<16777216xf32, #tpu.memory_space<hbm>> -> memref<128xf32, #tpu.memory_space<hbm>>
    %dma_wait3A_186 = arith.constant 640 : i32
    %dma_wait3A_187 = tpu.memref_slice %arg7[%dma_wait3A_186] : memref<1024xf32, #tpu.memory_space<vmem>> -> memref<128xf32, #tpu.memory_space<vmem>>
    %dma_wait3A_188 = tpu.memref_slice %arg2[%mul3A_176] : memref<16777216xf32, #tpu.memory_space<hbm>> -> memref<128xf32, #tpu.memory_space<hbm>>
    tpu.wait_dma2 semaphore(%arg11 : memref<!tpu.dma_semaphore, #tpu.memory_space<semaphore_mem>>) src(%dma_wait3A_188 : memref<128xf32, #tpu.memory_space<hbm>>) dst(%dma_wait3A_187 : memref<128xf32, #tpu.memory_space<vmem>>)
    %dma_wait3A_189 = arith.constant 768 : i32
    %dma_wait3A_190 = tpu.memref_slice %arg7[%dma_wait3A_189] : memref<1024xf32, #tpu.memory_space<vmem>> -> memref<128xf32, #tpu.memory_space<vmem>>
    %dma_wait3A_191 = tpu.memref_slice %arg2[%mul3A_176] : memref<16777216xf32, #tpu.memory_space<hbm>> -> memref<128xf32, #tpu.memory_space<hbm>>
    %dma_wait3A_192 = arith.constant 768 : i32
    %dma_wait3A_193 = tpu.memref_slice %arg7[%dma_wait3A_192] : memref<1024xf32, #tpu.memory_space<vmem>> -> memref<128xf32, #tpu.memory_space<vmem>>
    %dma_wait3A_194 = tpu.memref_slice %arg2[%mul3A_176] : memref<16777216xf32, #tpu.memory_space<hbm>> -> memref<128xf32, #tpu.memory_space<hbm>>
    tpu.wait_dma2 semaphore(%arg11 : memref<!tpu.dma_semaphore, #tpu.memory_space<semaphore_mem>>) src(%dma_wait3A_194 : memref<128xf32, #tpu.memory_space<hbm>>) dst(%dma_wait3A_193 : memref<128xf32, #tpu.memory_space<vmem>>)
    %dma_wait3A_195 = arith.constant 896 : i32
    %dma_wait3A_196 = tpu.memref_slice %arg7[%dma_wait3A_195] : memref<1024xf32, #tpu.memory_space<vmem>> -> memref<128xf32, #tpu.memory_space<vmem>>
    %dma_wait3A_197 = tpu.memref_slice %arg2[%mul3A_176] : memref<16777216xf32, #tpu.memory_space<hbm>> -> memref<128xf32, #tpu.memory_space<hbm>>
    %dma_wait3A_198 = arith.constant 896 : i32
    %dma_wait3A_199 = tpu.memref_slice %arg7[%dma_wait3A_198] : memref<1024xf32, #tpu.memory_space<vmem>> -> memref<128xf32, #tpu.memory_space<vmem>>
    %dma_wait3A_200 = tpu.memref_slice %arg2[%mul3A_176] : memref<16777216xf32, #tpu.memory_space<hbm>> -> memref<128xf32, #tpu.memory_space<hbm>>
    tpu.wait_dma2 semaphore(%arg11 : memref<!tpu.dma_semaphore, #tpu.memory_space<semaphore_mem>>) src(%dma_wait3A_200 : memref<128xf32, #tpu.memory_space<hbm>>) dst(%dma_wait3A_199 : memref<128xf32, #tpu.memory_space<vmem>>)
    %ne3A = arith.constant 2047 : i32
    %ne3A_201 = arith.cmpi ne, %select_n3A, %ne3A : i32
    %convert_element_type3A = arith.extui %ne3A_201 : i1 to i32
    %cond3A = arith.constant 0 : i32
    %cond3A_202 = arith.cmpi ne, %convert_element_type3A, %cond3A : i32
    scf.if %cond3A_202 {
      %sub3A_640 = arith.constant 1 : i32
      %sub3A_641 = arith.subi %select_n3A, %sub3A_640 : i32
      %max3A = arith.constant 0 : i32
      %max3A_642 = arith.maxsi %sub3A_641, %max3A : i32
      %add3A_643 = arith.constant 0 : i32
      %add3A_644 = arith.addi %mul3A_2, %add3A_643 : i32
      %mul3A_645 = arith.constant 2048 : i32
      %mul3A_646 = arith.muli %add3A_644, %mul3A_645 : i32
      %add3A_647 = arith.addi %mul3A_646, %select_n3A : i32
      %mul3A_648 = arith.constant 128 : i32
      %mul3A_649 = arith.muli %add3A_647, %mul3A_648 : i32
      %mul3A_650 = arith.constant 2048 : i32
      %mul3A_651 = arith.muli %add3A_644, %mul3A_650 : i32
      %add3A_652 = arith.addi %mul3A_651, %max3A_642 : i32
      %mul3A_653 = arith.constant 128 : i32
      %mul3A_654 = arith.muli %add3A_652, %mul3A_653 : i32
      "tpu.region"() ({
        %run_scoped3A = tpu.sem_alloc : memref<!tpu.dma_semaphore, #tpu.memory_space<semaphore_mem>>
        %dma_start3A_655 = arith.constant 0 : i32
        %dma_start3A_656 = tpu.memref_slice %arg7[%dma_start3A_655] : memref<1024xf32, #tpu.memory_space<vmem>> -> memref<128xf32, #tpu.memory_space<vmem>>
        %dma_start3A_657 = tpu.memref_slice %arg2[%mul3A_649] : memref<16777216xf32, #tpu.memory_space<hbm>> -> memref<128xf32, #tpu.memory_space<hbm>>
        %dma_start3A_658 = arith.constant 0 : i32
        %dma_start3A_659 = tpu.memref_slice %arg7[%dma_start3A_658] : memref<1024xf32, #tpu.memory_space<vmem>> -> memref<128xf32, #tpu.memory_space<vmem>>
        %dma_start3A_660 = tpu.memref_slice %arg2[%mul3A_649] : memref<16777216xf32, #tpu.memory_space<hbm>> -> memref<128xf32, #tpu.memory_space<hbm>>
        tpu.enqueue_dma source(%dma_start3A_660 : memref<128xf32, #tpu.memory_space<hbm>>) target(%dma_start3A_659 : memref<128xf32, #tpu.memory_space<vmem>>) target_semaphore(%run_scoped3A : memref<!tpu.dma_semaphore, #tpu.memory_space<semaphore_mem>>)
        %dma_wait3A_661 = arith.constant 0 : i32
        %dma_wait3A_662 = tpu.memref_slice %arg7[%dma_wait3A_661] : memref<1024xf32, #tpu.memory_space<vmem>> -> memref<128xf32, #tpu.memory_space<vmem>>
        %dma_wait3A_663 = tpu.memref_slice %arg2[%mul3A_649] : memref<16777216xf32, #tpu.memory_space<hbm>> -> memref<128xf32, #tpu.memory_space<hbm>>
        %dma_wait3A_664 = arith.constant 0 : i32
        %dma_wait3A_665 = tpu.memref_slice %arg7[%dma_wait3A_664] : memref<1024xf32, #tpu.memory_space<vmem>> -> memref<128xf32, #tpu.memory_space<vmem>>
        %dma_wait3A_666 = tpu.memref_slice %arg2[%mul3A_649] : memref<16777216xf32, #tpu.memory_space<hbm>> -> memref<128xf32, #tpu.memory_space<hbm>>
        tpu.wait_dma2 semaphore(%run_scoped3A : memref<!tpu.dma_semaphore, #tpu.memory_space<semaphore_mem>>) src(%dma_wait3A_666 : memref<128xf32, #tpu.memory_space<hbm>>) dst(%dma_wait3A_665 : memref<128xf32, #tpu.memory_space<vmem>>)
        tpu.yield
      }) : () -> ()
      "tpu.region"() ({
        %run_scoped3A = tpu.sem_alloc : memref<!tpu.dma_semaphore, #tpu.memory_space<semaphore_mem>>
        %dma_start3A_655 = arith.constant 128 : i32
        %dma_start3A_656 = tpu.memref_slice %arg7[%dma_start3A_655] : memref<1024xf32, #tpu.memory_space<vmem>> -> memref<128xf32, #tpu.memory_space<vmem>>
        %dma_start3A_657 = tpu.memref_slice %arg3[%mul3A_649] : memref<16777216xf32, #tpu.memory_space<hbm>> -> memref<128xf32, #tpu.memory_space<hbm>>
        %dma_start3A_658 = arith.constant 128 : i32
        %dma_start3A_659 = tpu.memref_slice %arg7[%dma_start3A_658] : memref<1024xf32, #tpu.memory_space<vmem>> -> memref<128xf32, #tpu.memory_space<vmem>>
        %dma_start3A_660 = tpu.memref_slice %arg3[%mul3A_649] : memref<16777216xf32, #tpu.memory_space<hbm>> -> memref<128xf32, #tpu.memory_space<hbm>>
        tpu.enqueue_dma source(%dma_start3A_660 : memref<128xf32, #tpu.memory_space<hbm>>) target(%dma_start3A_659 : memref<128xf32, #tpu.memory_space<vmem>>) target_semaphore(%run_scoped3A : memref<!tpu.dma_semaphore, #tpu.memory_space<semaphore_mem>>)
        %dma_wait3A_661 = arith.constant 128 : i32
        %dma_wait3A_662 = tpu.memref_slice %arg7[%dma_wait3A_661] : memref<1024xf32, #tpu.memory_space<vmem>> -> memref<128xf32, #tpu.memory_space<vmem>>
        %dma_wait3A_663 = tpu.memref_slice %arg3[%mul3A_649] : memref<16777216xf32, #tpu.memory_space<hbm>> -> memref<128xf32, #tpu.memory_space<hbm>>
        %dma_wait3A_664 = arith.constant 128 : i32
        %dma_wait3A_665 = tpu.memref_slice %arg7[%dma_wait3A_664] : memref<1024xf32, #tpu.memory_space<vmem>> -> memref<128xf32, #tpu.memory_space<vmem>>
        %dma_wait3A_666 = tpu.memref_slice %arg3[%mul3A_649] : memref<16777216xf32, #tpu.memory_space<hbm>> -> memref<128xf32, #tpu.memory_space<hbm>>
        tpu.wait_dma2 semaphore(%run_scoped3A : memref<!tpu.dma_semaphore, #tpu.memory_space<semaphore_mem>>) src(%dma_wait3A_666 : memref<128xf32, #tpu.memory_space<hbm>>) dst(%dma_wait3A_665 : memref<128xf32, #tpu.memory_space<vmem>>)
        tpu.yield
      }) : () -> ()
      "tpu.region"() ({
        %run_scoped3A = tpu.sem_alloc : memref<!tpu.dma_semaphore, #tpu.memory_space<semaphore_mem>>
        %dma_start3A_655 = arith.constant 256 : i32
        %dma_start3A_656 = tpu.memref_slice %arg7[%dma_start3A_655] : memref<1024xf32, #tpu.memory_space<vmem>> -> memref<128xf32, #tpu.memory_space<vmem>>
        %dma_start3A_657 = tpu.memref_slice %arg2[%mul3A_654] : memref<16777216xf32, #tpu.memory_space<hbm>> -> memref<128xf32, #tpu.memory_space<hbm>>
        %dma_start3A_658 = arith.constant 256 : i32
        %dma_start3A_659 = tpu.memref_slice %arg7[%dma_start3A_658] : memref<1024xf32, #tpu.memory_space<vmem>> -> memref<128xf32, #tpu.memory_space<vmem>>
        %dma_start3A_660 = tpu.memref_slice %arg2[%mul3A_654] : memref<16777216xf32, #tpu.memory_space<hbm>> -> memref<128xf32, #tpu.memory_space<hbm>>
        tpu.enqueue_dma source(%dma_start3A_660 : memref<128xf32, #tpu.memory_space<hbm>>) target(%dma_start3A_659 : memref<128xf32, #tpu.memory_space<vmem>>) target_semaphore(%run_scoped3A : memref<!tpu.dma_semaphore, #tpu.memory_space<semaphore_mem>>)
        %dma_wait3A_661 = arith.constant 256 : i32
        %dma_wait3A_662 = tpu.memref_slice %arg7[%dma_wait3A_661] : memref<1024xf32, #tpu.memory_space<vmem>> -> memref<128xf32, #tpu.memory_space<vmem>>
        %dma_wait3A_663 = tpu.memref_slice %arg2[%mul3A_654] : memref<16777216xf32, #tpu.memory_space<hbm>> -> memref<128xf32, #tpu.memory_space<hbm>>
        %dma_wait3A_664 = arith.constant 256 : i32
        %dma_wait3A_665 = tpu.memref_slice %arg7[%dma_wait3A_664] : memref<1024xf32, #tpu.memory_space<vmem>> -> memref<128xf32, #tpu.memory_space<vmem>>
        %dma_wait3A_666 = tpu.memref_slice %arg2[%mul3A_654] : memref<16777216xf32, #tpu.memory_space<hbm>> -> memref<128xf32, #tpu.memory_space<hbm>>
        tpu.wait_dma2 semaphore(%run_scoped3A : memref<!tpu.dma_semaphore, #tpu.memory_space<semaphore_mem>>) src(%dma_wait3A_666 : memref<128xf32, #tpu.memory_space<hbm>>) dst(%dma_wait3A_665 : memref<128xf32, #tpu.memory_space<vmem>>)
        tpu.yield
      }) : () -> ()
      "tpu.region"() ({
        %run_scoped3A = tpu.sem_alloc : memref<!tpu.dma_semaphore, #tpu.memory_space<semaphore_mem>>
        %dma_start3A_655 = arith.constant 384 : i32
        %dma_start3A_656 = tpu.memref_slice %arg7[%dma_start3A_655] : memref<1024xf32, #tpu.memory_space<vmem>> -> memref<128xf32, #tpu.memory_space<vmem>>
        %dma_start3A_657 = tpu.memref_slice %arg3[%mul3A_654] : memref<16777216xf32, #tpu.memory_space<hbm>> -> memref<128xf32, #tpu.memory_space<hbm>>
        %dma_start3A_658 = arith.constant 384 : i32
        %dma_start3A_659 = tpu.memref_slice %arg7[%dma_start3A_658] : memref<1024xf32, #tpu.memory_space<vmem>> -> memref<128xf32, #tpu.memory_space<vmem>>
        %dma_start3A_660 = tpu.memref_slice %arg3[%mul3A_654] : memref<16777216xf32, #tpu.memory_space<hbm>> -> memref<128xf32, #tpu.memory_space<hbm>>
        tpu.enqueue_dma source(%dma_start3A_660 : memref<128xf32, #tpu.memory_space<hbm>>) target(%dma_start3A_659 : memref<128xf32, #tpu.memory_space<vmem>>) target_semaphore(%run_scoped3A : memref<!tpu.dma_semaphore, #tpu.memory_space<semaphore_mem>>)
        %dma_wait3A_661 = arith.constant 384 : i32
        %dma_wait3A_662 = tpu.memref_slice %arg7[%dma_wait3A_661] : memref<1024xf32, #tpu.memory_space<vmem>> -> memref<128xf32, #tpu.memory_space<vmem>>
        %dma_wait3A_663 = tpu.memref_slice %arg3[%mul3A_654] : memref<16777216xf32, #tpu.memory_space<hbm>> -> memref<128xf32, #tpu.memory_space<hbm>>
        %dma_wait3A_664 = arith.constant 384 : i32
        %dma_wait3A_665 = tpu.memref_slice %arg7[%dma_wait3A_664] : memref<1024xf32, #tpu.memory_space<vmem>> -> memref<128xf32, #tpu.memory_space<vmem>>
        %dma_wait3A_666 = tpu.memref_slice %arg3[%mul3A_654] : memref<16777216xf32, #tpu.memory_space<hbm>> -> memref<128xf32, #tpu.memory_space<hbm>>
        tpu.wait_dma2 semaphore(%run_scoped3A : memref<!tpu.dma_semaphore, #tpu.memory_space<semaphore_mem>>) src(%dma_wait3A_666 : memref<128xf32, #tpu.memory_space<hbm>>) dst(%dma_wait3A_665 : memref<128xf32, #tpu.memory_space<vmem>>)
        tpu.yield
      }) : () -> ()
    } else {
    }
    %ne3A_203 = arith.constant 2047 : i32
    %ne3A_204 = arith.cmpi ne, %select_n3A_140, %ne3A_203 : i32
    %convert_element_type3A_205 = arith.extui %ne3A_204 : i1 to i32
    %cond3A_206 = arith.constant 0 : i32
    %cond3A_207 = arith.cmpi ne, %convert_element_type3A_205, %cond3A_206 : i32
    scf.if %cond3A_207 {
      %sub3A_640 = arith.constant 1 : i32
      %sub3A_641 = arith.subi %select_n3A_140, %sub3A_640 : i32
      %max3A = arith.constant 0 : i32
      %max3A_642 = arith.maxsi %sub3A_641, %max3A : i32
      %add3A_643 = arith.constant 1 : i32
      %add3A_644 = arith.addi %mul3A_2, %add3A_643 : i32
      %mul3A_645 = arith.constant 2048 : i32
      %mul3A_646 = arith.muli %add3A_644, %mul3A_645 : i32
      %add3A_647 = arith.addi %mul3A_646, %select_n3A_140 : i32
      %mul3A_648 = arith.constant 128 : i32
      %mul3A_649 = arith.muli %add3A_647, %mul3A_648 : i32
      %mul3A_650 = arith.constant 2048 : i32
      %mul3A_651 = arith.muli %add3A_644, %mul3A_650 : i32
      %add3A_652 = arith.addi %mul3A_651, %max3A_642 : i32
      %mul3A_653 = arith.constant 128 : i32
      %mul3A_654 = arith.muli %add3A_652, %mul3A_653 : i32
      "tpu.region"() ({
        %run_scoped3A = tpu.sem_alloc : memref<!tpu.dma_semaphore, #tpu.memory_space<semaphore_mem>>
        %dma_start3A_655 = arith.constant 512 : i32
        %dma_start3A_656 = tpu.memref_slice %arg7[%dma_start3A_655] : memref<1024xf32, #tpu.memory_space<vmem>> -> memref<128xf32, #tpu.memory_space<vmem>>
        %dma_start3A_657 = tpu.memref_slice %arg2[%mul3A_649] : memref<16777216xf32, #tpu.memory_space<hbm>> -> memref<128xf32, #tpu.memory_space<hbm>>
        %dma_start3A_658 = arith.constant 512 : i32
        %dma_start3A_659 = tpu.memref_slice %arg7[%dma_start3A_658] : memref<1024xf32, #tpu.memory_space<vmem>> -> memref<128xf32, #tpu.memory_space<vmem>>
        %dma_start3A_660 = tpu.memref_slice %arg2[%mul3A_649] : memref<16777216xf32, #tpu.memory_space<hbm>> -> memref<128xf32, #tpu.memory_space<hbm>>
        tpu.enqueue_dma source(%dma_start3A_660 : memref<128xf32, #tpu.memory_space<hbm>>) target(%dma_start3A_659 : memref<128xf32, #tpu.memory_space<vmem>>) target_semaphore(%run_scoped3A : memref<!tpu.dma_semaphore, #tpu.memory_space<semaphore_mem>>)
        %dma_wait3A_661 = arith.constant 512 : i32
        %dma_wait3A_662 = tpu.memref_slice %arg7[%dma_wait3A_661] : memref<1024xf32, #tpu.memory_space<vmem>> -> memref<128xf32, #tpu.memory_space<vmem>>
        %dma_wait3A_663 = tpu.memref_slice %arg2[%mul3A_649] : memref<16777216xf32, #tpu.memory_space<hbm>> -> memref<128xf32, #tpu.memory_space<hbm>>
        %dma_wait3A_664 = arith.constant 512 : i32
        %dma_wait3A_665 = tpu.memref_slice %arg7[%dma_wait3A_664] : memref<1024xf32, #tpu.memory_space<vmem>> -> memref<128xf32, #tpu.memory_space<vmem>>
        %dma_wait3A_666 = tpu.memref_slice %arg2[%mul3A_649] : memref<16777216xf32, #tpu.memory_space<hbm>> -> memref<128xf32, #tpu.memory_space<hbm>>
        tpu.wait_dma2 semaphore(%run_scoped3A : memref<!tpu.dma_semaphore, #tpu.memory_space<semaphore_mem>>) src(%dma_wait3A_666 : memref<128xf32, #tpu.memory_space<hbm>>) dst(%dma_wait3A_665 : memref<128xf32, #tpu.memory_space<vmem>>)
        tpu.yield
      }) : () -> ()
      "tpu.region"() ({
        %run_scoped3A = tpu.sem_alloc : memref<!tpu.dma_semaphore, #tpu.memory_space<semaphore_mem>>
        %dma_start3A_655 = arith.constant 640 : i32
        %dma_start3A_656 = tpu.memref_slice %arg7[%dma_start3A_655] : memref<1024xf32, #tpu.memory_space<vmem>> -> memref<128xf32, #tpu.memory_space<vmem>>
        %dma_start3A_657 = tpu.memref_slice %arg3[%mul3A_649] : memref<16777216xf32, #tpu.memory_space<hbm>> -> memref<128xf32, #tpu.memory_space<hbm>>
        %dma_start3A_658 = arith.constant 640 : i32
        %dma_start3A_659 = tpu.memref_slice %arg7[%dma_start3A_658] : memref<1024xf32, #tpu.memory_space<vmem>> -> memref<128xf32, #tpu.memory_space<vmem>>
        %dma_start3A_660 = tpu.memref_slice %arg3[%mul3A_649] : memref<16777216xf32, #tpu.memory_space<hbm>> -> memref<128xf32, #tpu.memory_space<hbm>>
        tpu.enqueue_dma source(%dma_start3A_660 : memref<128xf32, #tpu.memory_space<hbm>>) target(%dma_start3A_659 : memref<128xf32, #tpu.memory_space<vmem>>) target_semaphore(%run_scoped3A : memref<!tpu.dma_semaphore, #tpu.memory_space<semaphore_mem>>)
        %dma_wait3A_661 = arith.constant 640 : i32
        %dma_wait3A_662 = tpu.memref_slice %arg7[%dma_wait3A_661] : memref<1024xf32, #tpu.memory_space<vmem>> -> memref<128xf32, #tpu.memory_space<vmem>>
        %dma_wait3A_663 = tpu.memref_slice %arg3[%mul3A_649] : memref<16777216xf32, #tpu.memory_space<hbm>> -> memref<128xf32, #tpu.memory_space<hbm>>
        %dma_wait3A_664 = arith.constant 640 : i32
        %dma_wait3A_665 = tpu.memref_slice %arg7[%dma_wait3A_664] : memref<1024xf32, #tpu.memory_space<vmem>> -> memref<128xf32, #tpu.memory_space<vmem>>
        %dma_wait3A_666 = tpu.memref_slice %arg3[%mul3A_649] : memref<16777216xf32, #tpu.memory_space<hbm>> -> memref<128xf32, #tpu.memory_space<hbm>>
        tpu.wait_dma2 semaphore(%run_scoped3A : memref<!tpu.dma_semaphore, #tpu.memory_space<semaphore_mem>>) src(%dma_wait3A_666 : memref<128xf32, #tpu.memory_space<hbm>>) dst(%dma_wait3A_665 : memref<128xf32, #tpu.memory_space<vmem>>)
        tpu.yield
      }) : () -> ()
      "tpu.region"() ({
        %run_scoped3A = tpu.sem_alloc : memref<!tpu.dma_semaphore, #tpu.memory_space<semaphore_mem>>
        %dma_start3A_655 = arith.constant 768 : i32
        %dma_start3A_656 = tpu.memref_slice %arg7[%dma_start3A_655] : memref<1024xf32, #tpu.memory_space<vmem>> -> memref<128xf32, #tpu.memory_space<vmem>>
        %dma_start3A_657 = tpu.memref_slice %arg2[%mul3A_654] : memref<16777216xf32, #tpu.memory_space<hbm>> -> memref<128xf32, #tpu.memory_space<hbm>>
        %dma_start3A_658 = arith.constant 768 : i32
        %dma_start3A_659 = tpu.memref_slice %arg7[%dma_start3A_658] : memref<1024xf32, #tpu.memory_space<vmem>> -> memref<128xf32, #tpu.memory_space<vmem>>
        %dma_start3A_660 = tpu.memref_slice %arg2[%mul3A_654] : memref<16777216xf32, #tpu.memory_space<hbm>> -> memref<128xf32, #tpu.memory_space<hbm>>
        tpu.enqueue_dma source(%dma_start3A_660 : memref<128xf32, #tpu.memory_space<hbm>>) target(%dma_start3A_659 : memref<128xf32, #tpu.memory_space<vmem>>) target_semaphore(%run_scoped3A : memref<!tpu.dma_semaphore, #tpu.memory_space<semaphore_mem>>)
        %dma_wait3A_661 = arith.constant 768 : i32
        %dma_wait3A_662 = tpu.memref_slice %arg7[%dma_wait3A_661] : memref<1024xf32, #tpu.memory_space<vmem>> -> memref<128xf32, #tpu.memory_space<vmem>>
        %dma_wait3A_663 = tpu.memref_slice %arg2[%mul3A_654] : memref<16777216xf32, #tpu.memory_space<hbm>> -> memref<128xf32, #tpu.memory_space<hbm>>
        %dma_wait3A_664 = arith.constant 768 : i32
        %dma_wait3A_665 = tpu.memref_slice %arg7[%dma_wait3A_664] : memref<1024xf32, #tpu.memory_space<vmem>> -> memref<128xf32, #tpu.memory_space<vmem>>
        %dma_wait3A_666 = tpu.memref_slice %arg2[%mul3A_654] : memref<16777216xf32, #tpu.memory_space<hbm>> -> memref<128xf32, #tpu.memory_space<hbm>>
        tpu.wait_dma2 semaphore(%run_scoped3A : memref<!tpu.dma_semaphore, #tpu.memory_space<semaphore_mem>>) src(%dma_wait3A_666 : memref<128xf32, #tpu.memory_space<hbm>>) dst(%dma_wait3A_665 : memref<128xf32, #tpu.memory_space<vmem>>)
        tpu.yield
      }) : () -> ()
      "tpu.region"() ({
        %run_scoped3A = tpu.sem_alloc : memref<!tpu.dma_semaphore, #tpu.memory_space<semaphore_mem>>
        %dma_start3A_655 = arith.constant 896 : i32
        %dma_start3A_656 = tpu.memref_slice %arg7[%dma_start3A_655] : memref<1024xf32, #tpu.memory_space<vmem>> -> memref<128xf32, #tpu.memory_space<vmem>>
        %dma_start3A_657 = tpu.memref_slice %arg3[%mul3A_654] : memref<16777216xf32, #tpu.memory_space<hbm>> -> memref<128xf32, #tpu.memory_space<hbm>>
        %dma_start3A_658 = arith.constant 896 : i32
        %dma_start3A_659 = tpu.memref_slice %arg7[%dma_start3A_658] : memref<1024xf32, #tpu.memory_space<vmem>> -> memref<128xf32, #tpu.memory_space<vmem>>
        %dma_start3A_660 = tpu.memref_slice %arg3[%mul3A_654] : memref<16777216xf32, #tpu.memory_space<hbm>> -> memref<128xf32, #tpu.memory_space<hbm>>
        tpu.enqueue_dma source(%dma_start3A_660 : memref<128xf32, #tpu.memory_space<hbm>>) target(%dma_start3A_659 : memref<128xf32, #tpu.memory_space<vmem>>) target_semaphore(%run_scoped3A : memref<!tpu.dma_semaphore, #tpu.memory_space<semaphore_mem>>)
        %dma_wait3A_661 = arith.constant 896 : i32
        %dma_wait3A_662 = tpu.memref_slice %arg7[%dma_wait3A_661] : memref<1024xf32, #tpu.memory_space<vmem>> -> memref<128xf32, #tpu.memory_space<vmem>>
        %dma_wait3A_663 = tpu.memref_slice %arg3[%mul3A_654] : memref<16777216xf32, #tpu.memory_space<hbm>> -> memref<128xf32, #tpu.memory_space<hbm>>
        %dma_wait3A_664 = arith.constant 896 : i32
        %dma_wait3A_665 = tpu.memref_slice %arg7[%dma_wait3A_664] : memref<1024xf32, #tpu.memory_space<vmem>> -> memref<128xf32, #tpu.memory_space<vmem>>
        %dma_wait3A_666 = tpu.memref_slice %arg3[%mul3A_654] : memref<16777216xf32, #tpu.memory_space<hbm>> -> memref<128xf32, #tpu.memory_space<hbm>>
        tpu.wait_dma2 semaphore(%run_scoped3A : memref<!tpu.dma_semaphore, #tpu.memory_space<semaphore_mem>>) src(%dma_wait3A_666 : memref<128xf32, #tpu.memory_space<hbm>>) dst(%dma_wait3A_665 : memref<128xf32, #tpu.memory_space<vmem>>)
        tpu.yield
      }) : () -> ()
    } else {
    }
    %convert_element_type3A_208 = arith.sitofp %reduce_sum3A_114 : i32 to f32
    %mul3A_209 = arith.constant 4.88519785E-4 : f32
    %mul3A_210 = arith.mulf %convert_element_type3A_208, %mul3A_209 : f32
    %broadcast_in_dim3A_211 = vector.broadcast %mul3A_210 : f32 to vector<16xf32>
    %bitcast3A = vector.bitcast %broadcast_in_dim3A_211 : vector<16xf32> to vector<16xi32>
    %shift_right_arithmetic3A = arith.constant 1 : i32
    %shift_right_arithmetic3A_212 = vector.broadcast %shift_right_arithmetic3A : i32 to vector<16xi32>
    %shift_right_arithmetic3A_213 = arith.shrsi %bitcast3A, %shift_right_arithmetic3A_212 : vector<16xi32>
    %sub3A_214 = arith.constant 1597463007 : i32
    %sub3A_215 = vector.broadcast %sub3A_214 : i32 to vector<16xi32>
    %sub3A_216 = arith.subi %sub3A_215, %shift_right_arithmetic3A_213 : vector<16xi32>
    %bitcast3A_217 = vector.bitcast %sub3A_216 : vector<16xi32> to vector<16xf32>
    %mul3A_218 = arith.constant 5.000000e-01 : f32
    %mul3A_219 = vector.broadcast %mul3A_218 : f32 to vector<16xf32>
    %mul3A_220 = arith.mulf %mul3A_219, %broadcast_in_dim3A_211 : vector<16xf32>
    %mul3A_221 = arith.mulf %mul3A_220, %bitcast3A_217 : vector<16xf32>
    %mul3A_222 = arith.mulf %mul3A_221, %bitcast3A_217 : vector<16xf32>
    %sub3A_223 = arith.constant 1.500000e+00 : f32
    %sub3A_224 = vector.broadcast %sub3A_223 : f32 to vector<16xf32>
    %sub3A_225 = arith.subf %sub3A_224, %mul3A_222 : vector<16xf32>
    %mul3A_226 = arith.mulf %bitcast3A_217, %sub3A_225 : vector<16xf32>
    %mul3A_227 = arith.constant 5.000000e-01 : f32
    %mul3A_228 = vector.broadcast %mul3A_227 : f32 to vector<16xf32>
    %mul3A_229 = arith.mulf %mul3A_228, %broadcast_in_dim3A_211 : vector<16xf32>
    %mul3A_230 = arith.mulf %mul3A_229, %mul3A_226 : vector<16xf32>
    %mul3A_231 = arith.mulf %mul3A_230, %mul3A_226 : vector<16xf32>
    %sub3A_232 = arith.constant 1.500000e+00 : f32
    %sub3A_233 = vector.broadcast %sub3A_232 : f32 to vector<16xf32>
    %sub3A_234 = arith.subf %sub3A_233, %mul3A_231 : vector<16xf32>
    %mul3A_235 = arith.mulf %mul3A_226, %sub3A_234 : vector<16xf32>
    %mul3A_236 = arith.constant 5.000000e-01 : f32
    %mul3A_237 = vector.broadcast %mul3A_236 : f32 to vector<16xf32>
    %mul3A_238 = arith.mulf %mul3A_237, %broadcast_in_dim3A_211 : vector<16xf32>
    %mul3A_239 = arith.mulf %mul3A_238, %mul3A_235 : vector<16xf32>
    %mul3A_240 = arith.mulf %mul3A_239, %mul3A_235 : vector<16xf32>
    %sub3A_241 = arith.constant 1.500000e+00 : f32
    %sub3A_242 = vector.broadcast %sub3A_241 : f32 to vector<16xf32>
    %sub3A_243 = arith.subf %sub3A_242, %mul3A_240 : vector<16xf32>
    %mul3A_244 = arith.mulf %mul3A_235, %sub3A_243 : vector<16xf32>
    %mul3A_245 = arith.mulf %broadcast_in_dim3A_211, %broadcast_in_dim3A_211 : vector<16xf32>
    %mul3A_246 = arith.mulf %broadcast_in_dim3A_211, %mul3A_244 : vector<16xf32>
    %mul3A_247 = arith.mulf %mul3A_245, %mul3A_246 : vector<16xf32>
    %eq3A_248 = arith.constant 0 : i32
    %eq3A_249 = vector.broadcast %eq3A_248 : i32 to vector<16xi32>
    %eq3A_250 = arith.cmpi eq, %iota3A, %eq3A_249 : vector<16xi32>
    %jit3A_251 = arith.constant 0.000000e+00 : f32
    %broadcast_in_dim3A_252 = vector.broadcast %jit3A_251 : f32 to vector<16xf32>
    %select_n3A_253 = arith.select %eq3A_250, %mul3A_247, %broadcast_in_dim3A_252 : vector<16xi1>, vector<16xf32>
    %reduce_sum3A_254 = arith.constant true
    %reduce_sum3A_255 = vector.broadcast %reduce_sum3A_254 : i1 to vector<16xi1>
    %reduce_sum3A_256 = tpu.scan <sum>, %select_n3A_253 masked %reduce_sum3A_255 : vector<16xf32>, vector<16xi1> -> vector<16xf32>
    %reduce_sum3A_257 = vector.extract %reduce_sum3A_256[15] : f32 from vector<16xf32>
    %eq3A_258 = arith.constant 0 : i32
    %eq3A_259 = arith.cmpi eq, %reduce_sum3A_114, %eq3A_258 : i32
    %jit3A_260 = arith.constant 0.000000e+00 : f32
    %select_n3A_261 = arith.select %eq3A_259, %jit3A_260, %reduce_sum3A_257 : f32
    %mul3A_262 = arith.constant 5.000000e-01 : f32
    %mul3A_263 = arith.mulf %mul3A_262, %select_n3A_261 : f32
    %add3A_264 = arith.constant 1.000000e+00 : f32
    %add3A_265 = arith.addf %add3A_264, %mul3A_263 : f32
    %gt3A = arith.constant 0 : i32
    %gt3A_266 = arith.cmpi sgt, %select_n3A, %gt3A : i32
    %jit3A_267 = arith.constant 1.000000e+00 : f32
    %jit3A_268 = arith.constant 0.000000e+00 : f32
    %select_n3A_269 = arith.select %gt3A_266, %jit3A_267, %jit3A_268 : f32
    %broadcast_in_dim3A_270 = arith.constant 0.000000e+00 : f32
    %broadcast_in_dim3A_271 = vector.broadcast %broadcast_in_dim3A_270 : f32 to vector<16xf32>
    %get3A = arith.constant 0 : index
    %get3A_272 = tpu.vector_load %arg7[%get3A] {strides = array<i32>} : memref<1024xf32, #tpu.memory_space<vmem>>, vector<16xf32>,
    %get3A_273 = arith.constant 128 : index
    %get3A_274 = tpu.vector_load %arg7[%get3A_273] {strides = array<i32>} : memref<1024xf32, #tpu.memory_space<vmem>>, vector<16xf32>,
    %sub3A_275 = arith.subf %get3A_272, %get3A_274 : vector<16xf32>
    %get3A_276 = arith.constant 256 : index
    %get3A_277 = tpu.vector_load %arg7[%get3A_276] {strides = array<i32>} : memref<1024xf32, #tpu.memory_space<vmem>>, vector<16xf32>,
    %get3A_278 = arith.constant 384 : index
    %get3A_279 = tpu.vector_load %arg7[%get3A_278] {strides = array<i32>} : memref<1024xf32, #tpu.memory_space<vmem>>, vector<16xf32>,
    %sub3A_280 = arith.subf %get3A_277, %get3A_279 : vector<16xf32>
    %mul3A_281 = vector.broadcast %select_n3A_269 : f32 to vector<16xf32>
    %mul3A_282 = arith.mulf %sub3A_280, %mul3A_281 : vector<16xf32>
    %mul3A_283 = arith.mulf %sub3A_275, %sub3A_275 : vector<16xf32>
    %add3A_284 = arith.addf %broadcast_in_dim3A_271, %mul3A_283 : vector<16xf32>
    %sub3A_285 = arith.subf %sub3A_275, %mul3A_282 : vector<16xf32>
    %abs3A = math.absf %sub3A_285 : vector<16xf32>
    %add3A_286 = arith.addf %broadcast_in_dim3A_271, %abs3A : vector<16xf32>
    %get3A_287 = arith.constant 16 : index
    %get3A_288 = tpu.vector_load %arg7[%get3A_287] {strides = array<i32>} : memref<1024xf32, #tpu.memory_space<vmem>>, vector<16xf32>,
    %get3A_289 = arith.constant 144 : index
    %get3A_290 = tpu.vector_load %arg7[%get3A_289] {strides = array<i32>} : memref<1024xf32, #tpu.memory_space<vmem>>, vector<16xf32>,
    %sub3A_291 = arith.subf %get3A_288, %get3A_290 : vector<16xf32>
    %get3A_292 = arith.constant 272 : index
    %get3A_293 = tpu.vector_load %arg7[%get3A_292] {strides = array<i32>} : memref<1024xf32, #tpu.memory_space<vmem>>, vector<16xf32>,
    %get3A_294 = arith.constant 400 : index
    %get3A_295 = tpu.vector_load %arg7[%get3A_294] {strides = array<i32>} : memref<1024xf32, #tpu.memory_space<vmem>>, vector<16xf32>,
    %sub3A_296 = arith.subf %get3A_293, %get3A_295 : vector<16xf32>
    %mul3A_297 = vector.broadcast %select_n3A_269 : f32 to vector<16xf32>
    %mul3A_298 = arith.mulf %sub3A_296, %mul3A_297 : vector<16xf32>
    %mul3A_299 = arith.mulf %sub3A_291, %sub3A_291 : vector<16xf32>
    %add3A_300 = arith.addf %add3A_284, %mul3A_299 : vector<16xf32>
    %sub3A_301 = arith.subf %sub3A_291, %mul3A_298 : vector<16xf32>
    %abs3A_302 = math.absf %sub3A_301 : vector<16xf32>
    %add3A_303 = arith.addf %add3A_286, %abs3A_302 : vector<16xf32>
    %get3A_304 = arith.constant 32 : index
    %get3A_305 = tpu.vector_load %arg7[%get3A_304] {strides = array<i32>} : memref<1024xf32, #tpu.memory_space<vmem>>, vector<16xf32>,
    %get3A_306 = arith.constant 160 : index
    %get3A_307 = tpu.vector_load %arg7[%get3A_306] {strides = array<i32>} : memref<1024xf32, #tpu.memory_space<vmem>>, vector<16xf32>,
    %sub3A_308 = arith.subf %get3A_305, %get3A_307 : vector<16xf32>
    %get3A_309 = arith.constant 288 : index
    %get3A_310 = tpu.vector_load %arg7[%get3A_309] {strides = array<i32>} : memref<1024xf32, #tpu.memory_space<vmem>>, vector<16xf32>,
    %get3A_311 = arith.constant 416 : index
    %get3A_312 = tpu.vector_load %arg7[%get3A_311] {strides = array<i32>} : memref<1024xf32, #tpu.memory_space<vmem>>, vector<16xf32>,
    %sub3A_313 = arith.subf %get3A_310, %get3A_312 : vector<16xf32>
    %mul3A_314 = vector.broadcast %select_n3A_269 : f32 to vector<16xf32>
    %mul3A_315 = arith.mulf %sub3A_313, %mul3A_314 : vector<16xf32>
    %mul3A_316 = arith.mulf %sub3A_308, %sub3A_308 : vector<16xf32>
    %add3A_317 = arith.addf %add3A_300, %mul3A_316 : vector<16xf32>
    %sub3A_318 = arith.subf %sub3A_308, %mul3A_315 : vector<16xf32>
    %abs3A_319 = math.absf %sub3A_318 : vector<16xf32>
    %add3A_320 = arith.addf %add3A_303, %abs3A_319 : vector<16xf32>
    %get3A_321 = arith.constant 48 : index
    %get3A_322 = tpu.vector_load %arg7[%get3A_321] {strides = array<i32>} : memref<1024xf32, #tpu.memory_space<vmem>>, vector<16xf32>,
    %get3A_323 = arith.constant 176 : index
    %get3A_324 = tpu.vector_load %arg7[%get3A_323] {strides = array<i32>} : memref<1024xf32, #tpu.memory_space<vmem>>, vector<16xf32>,
    %sub3A_325 = arith.subf %get3A_322, %get3A_324 : vector<16xf32>
    %get3A_326 = arith.constant 304 : index
    %get3A_327 = tpu.vector_load %arg7[%get3A_326] {strides = array<i32>} : memref<1024xf32, #tpu.memory_space<vmem>>, vector<16xf32>,
    %get3A_328 = arith.constant 432 : index
    %get3A_329 = tpu.vector_load %arg7[%get3A_328] {strides = array<i32>} : memref<1024xf32, #tpu.memory_space<vmem>>, vector<16xf32>,
    %sub3A_330 = arith.subf %get3A_327, %get3A_329 : vector<16xf32>
    %mul3A_331 = vector.broadcast %select_n3A_269 : f32 to vector<16xf32>
    %mul3A_332 = arith.mulf %sub3A_330, %mul3A_331 : vector<16xf32>
    %mul3A_333 = arith.mulf %sub3A_325, %sub3A_325 : vector<16xf32>
    %add3A_334 = arith.addf %add3A_317, %mul3A_333 : vector<16xf32>
    %sub3A_335 = arith.subf %sub3A_325, %mul3A_332 : vector<16xf32>
    %abs3A_336 = math.absf %sub3A_335 : vector<16xf32>
    %add3A_337 = arith.addf %add3A_320, %abs3A_336 : vector<16xf32>
    %get3A_338 = arith.constant 64 : index
    %get3A_339 = tpu.vector_load %arg7[%get3A_338] {strides = array<i32>} : memref<1024xf32, #tpu.memory_space<vmem>>, vector<16xf32>,
    %get3A_340 = arith.constant 192 : index
    %get3A_341 = tpu.vector_load %arg7[%get3A_340] {strides = array<i32>} : memref<1024xf32, #tpu.memory_space<vmem>>, vector<16xf32>,
    %sub3A_342 = arith.subf %get3A_339, %get3A_341 : vector<16xf32>
    %get3A_343 = arith.constant 320 : index
    %get3A_344 = tpu.vector_load %arg7[%get3A_343] {strides = array<i32>} : memref<1024xf32, #tpu.memory_space<vmem>>, vector<16xf32>,
    %get3A_345 = arith.constant 448 : index
    %get3A_346 = tpu.vector_load %arg7[%get3A_345] {strides = array<i32>} : memref<1024xf32, #tpu.memory_space<vmem>>, vector<16xf32>,
    %sub3A_347 = arith.subf %get3A_344, %get3A_346 : vector<16xf32>
    %mul3A_348 = vector.broadcast %select_n3A_269 : f32 to vector<16xf32>
    %mul3A_349 = arith.mulf %sub3A_347, %mul3A_348 : vector<16xf32>
    %mul3A_350 = arith.mulf %sub3A_342, %sub3A_342 : vector<16xf32>
    %add3A_351 = arith.addf %add3A_334, %mul3A_350 : vector<16xf32>
    %sub3A_352 = arith.subf %sub3A_342, %mul3A_349 : vector<16xf32>
    %abs3A_353 = math.absf %sub3A_352 : vector<16xf32>
    %add3A_354 = arith.addf %add3A_337, %abs3A_353 : vector<16xf32>
    %get3A_355 = arith.constant 80 : index
    %get3A_356 = tpu.vector_load %arg7[%get3A_355] {strides = array<i32>} : memref<1024xf32, #tpu.memory_space<vmem>>, vector<16xf32>,
    %get3A_357 = arith.constant 208 : index
    %get3A_358 = tpu.vector_load %arg7[%get3A_357] {strides = array<i32>} : memref<1024xf32, #tpu.memory_space<vmem>>, vector<16xf32>,
    %sub3A_359 = arith.subf %get3A_356, %get3A_358 : vector<16xf32>
    %get3A_360 = arith.constant 336 : index
    %get3A_361 = tpu.vector_load %arg7[%get3A_360] {strides = array<i32>} : memref<1024xf32, #tpu.memory_space<vmem>>, vector<16xf32>,
    %get3A_362 = arith.constant 464 : index
    %get3A_363 = tpu.vector_load %arg7[%get3A_362] {strides = array<i32>} : memref<1024xf32, #tpu.memory_space<vmem>>, vector<16xf32>,
    %sub3A_364 = arith.subf %get3A_361, %get3A_363 : vector<16xf32>
    %mul3A_365 = vector.broadcast %select_n3A_269 : f32 to vector<16xf32>
    %mul3A_366 = arith.mulf %sub3A_364, %mul3A_365 : vector<16xf32>
    %mul3A_367 = arith.mulf %sub3A_359, %sub3A_359 : vector<16xf32>
    %add3A_368 = arith.addf %add3A_351, %mul3A_367 : vector<16xf32>
    %sub3A_369 = arith.subf %sub3A_359, %mul3A_366 : vector<16xf32>
    %abs3A_370 = math.absf %sub3A_369 : vector<16xf32>
    %add3A_371 = arith.addf %add3A_354, %abs3A_370 : vector<16xf32>
    %get3A_372 = arith.constant 96 : index
    %get3A_373 = tpu.vector_load %arg7[%get3A_372] {strides = array<i32>} : memref<1024xf32, #tpu.memory_space<vmem>>, vector<16xf32>,
    %get3A_374 = arith.constant 224 : index
    %get3A_375 = tpu.vector_load %arg7[%get3A_374] {strides = array<i32>} : memref<1024xf32, #tpu.memory_space<vmem>>, vector<16xf32>,
    %sub3A_376 = arith.subf %get3A_373, %get3A_375 : vector<16xf32>
    %get3A_377 = arith.constant 352 : index
    %get3A_378 = tpu.vector_load %arg7[%get3A_377] {strides = array<i32>} : memref<1024xf32, #tpu.memory_space<vmem>>, vector<16xf32>,
    %get3A_379 = arith.constant 480 : index
    %get3A_380 = tpu.vector_load %arg7[%get3A_379] {strides = array<i32>} : memref<1024xf32, #tpu.memory_space<vmem>>, vector<16xf32>,
    %sub3A_381 = arith.subf %get3A_378, %get3A_380 : vector<16xf32>
    %mul3A_382 = vector.broadcast %select_n3A_269 : f32 to vector<16xf32>
    %mul3A_383 = arith.mulf %sub3A_381, %mul3A_382 : vector<16xf32>
    %mul3A_384 = arith.mulf %sub3A_376, %sub3A_376 : vector<16xf32>
    %add3A_385 = arith.addf %add3A_368, %mul3A_384 : vector<16xf32>
    %sub3A_386 = arith.subf %sub3A_376, %mul3A_383 : vector<16xf32>
    %abs3A_387 = math.absf %sub3A_386 : vector<16xf32>
    %add3A_388 = arith.addf %add3A_371, %abs3A_387 : vector<16xf32>
    %get3A_389 = arith.constant 112 : index
    %get3A_390 = tpu.vector_load %arg7[%get3A_389] {strides = array<i32>} : memref<1024xf32, #tpu.memory_space<vmem>>, vector<16xf32>,
    %get3A_391 = arith.constant 240 : index
    %get3A_392 = tpu.vector_load %arg7[%get3A_391] {strides = array<i32>} : memref<1024xf32, #tpu.memory_space<vmem>>, vector<16xf32>,
    %sub3A_393 = arith.subf %get3A_390, %get3A_392 : vector<16xf32>
    %get3A_394 = arith.constant 368 : index
    %get3A_395 = tpu.vector_load %arg7[%get3A_394] {strides = array<i32>} : memref<1024xf32, #tpu.memory_space<vmem>>, vector<16xf32>,
    %get3A_396 = arith.constant 496 : index
    %get3A_397 = tpu.vector_load %arg7[%get3A_396] {strides = array<i32>} : memref<1024xf32, #tpu.memory_space<vmem>>, vector<16xf32>,
    %sub3A_398 = arith.subf %get3A_395, %get3A_397 : vector<16xf32>
    %mul3A_399 = vector.broadcast %select_n3A_269 : f32 to vector<16xf32>
    %mul3A_400 = arith.mulf %sub3A_398, %mul3A_399 : vector<16xf32>
    %mul3A_401 = arith.mulf %sub3A_393, %sub3A_393 : vector<16xf32>
    %add3A_402 = arith.addf %add3A_385, %mul3A_401 : vector<16xf32>
    %sub3A_403 = arith.subf %sub3A_393, %mul3A_400 : vector<16xf32>
    %abs3A_404 = math.absf %sub3A_403 : vector<16xf32>
    %add3A_405 = arith.addf %add3A_388, %abs3A_404 : vector<16xf32>
    %reduce_sum3A_406 = arith.constant true
    %reduce_sum3A_407 = vector.broadcast %reduce_sum3A_406 : i1 to vector<16xi1>
    %reduce_sum3A_408 = tpu.scan <sum>, %add3A_402 masked %reduce_sum3A_407 : vector<16xf32>, vector<16xi1> -> vector<16xf32>
    %reduce_sum3A_409 = vector.extract %reduce_sum3A_408[15] : f32 from vector<16xf32>
    %reduce_sum3A_410 = arith.constant true
    %reduce_sum3A_411 = vector.broadcast %reduce_sum3A_410 : i1 to vector<16xi1>
    %reduce_sum3A_412 = tpu.scan <sum>, %add3A_405 masked %reduce_sum3A_411 : vector<16xf32>, vector<16xi1> -> vector<16xf32>
    %reduce_sum3A_413 = vector.extract %reduce_sum3A_412[15] : f32 from vector<16xf32>
    %add3A_414 = arith.addf %reduce_sum3A_409, %reduce_sum3A_413 : f32
    %mul3A_415 = arith.mulf %add3A_265, %add3A_414 : f32
    %add3A_416 = arith.constant 0.000000e+00 : f32
    %add3A_417 = arith.addf %add3A_416, %mul3A_415 : f32
    %convert_element_type3A_418 = arith.sitofp %reduce_sum3A_134 : i32 to f32
    %mul3A_419 = arith.constant 4.88519785E-4 : f32
    %mul3A_420 = arith.mulf %convert_element_type3A_418, %mul3A_419 : f32
    %broadcast_in_dim3A_421 = vector.broadcast %mul3A_420 : f32 to vector<16xf32>
    %bitcast3A_422 = vector.bitcast %broadcast_in_dim3A_421 : vector<16xf32> to vector<16xi32>
    %shift_right_arithmetic3A_423 = arith.constant 1 : i32
    %shift_right_arithmetic3A_424 = vector.broadcast %shift_right_arithmetic3A_423 : i32 to vector<16xi32>
    %shift_right_arithmetic3A_425 = arith.shrsi %bitcast3A_422, %shift_right_arithmetic3A_424 : vector<16xi32>
    %sub3A_426 = arith.constant 1597463007 : i32
    %sub3A_427 = vector.broadcast %sub3A_426 : i32 to vector<16xi32>
    %sub3A_428 = arith.subi %sub3A_427, %shift_right_arithmetic3A_425 : vector<16xi32>
    %bitcast3A_429 = vector.bitcast %sub3A_428 : vector<16xi32> to vector<16xf32>
    %mul3A_430 = arith.constant 5.000000e-01 : f32
    %mul3A_431 = vector.broadcast %mul3A_430 : f32 to vector<16xf32>
    %mul3A_432 = arith.mulf %mul3A_431, %broadcast_in_dim3A_421 : vector<16xf32>
    %mul3A_433 = arith.mulf %mul3A_432, %bitcast3A_429 : vector<16xf32>
    %mul3A_434 = arith.mulf %mul3A_433, %bitcast3A_429 : vector<16xf32>
    %sub3A_435 = arith.constant 1.500000e+00 : f32
    %sub3A_436 = vector.broadcast %sub3A_435 : f32 to vector<16xf32>
    %sub3A_437 = arith.subf %sub3A_436, %mul3A_434 : vector<16xf32>
    %mul3A_438 = arith.mulf %bitcast3A_429, %sub3A_437 : vector<16xf32>
    %mul3A_439 = arith.constant 5.000000e-01 : f32
    %mul3A_440 = vector.broadcast %mul3A_439 : f32 to vector<16xf32>
    %mul3A_441 = arith.mulf %mul3A_440, %broadcast_in_dim3A_421 : vector<16xf32>
    %mul3A_442 = arith.mulf %mul3A_441, %mul3A_438 : vector<16xf32>
    %mul3A_443 = arith.mulf %mul3A_442, %mul3A_438 : vector<16xf32>
    %sub3A_444 = arith.constant 1.500000e+00 : f32
    %sub3A_445 = vector.broadcast %sub3A_444 : f32 to vector<16xf32>
    %sub3A_446 = arith.subf %sub3A_445, %mul3A_443 : vector<16xf32>
    %mul3A_447 = arith.mulf %mul3A_438, %sub3A_446 : vector<16xf32>
    %mul3A_448 = arith.constant 5.000000e-01 : f32
    %mul3A_449 = vector.broadcast %mul3A_448 : f32 to vector<16xf32>
    %mul3A_450 = arith.mulf %mul3A_449, %broadcast_in_dim3A_421 : vector<16xf32>
    %mul3A_451 = arith.mulf %mul3A_450, %mul3A_447 : vector<16xf32>
    %mul3A_452 = arith.mulf %mul3A_451, %mul3A_447 : vector<16xf32>
    %sub3A_453 = arith.constant 1.500000e+00 : f32
    %sub3A_454 = vector.broadcast %sub3A_453 : f32 to vector<16xf32>
    %sub3A_455 = arith.subf %sub3A_454, %mul3A_452 : vector<16xf32>
    %mul3A_456 = arith.mulf %mul3A_447, %sub3A_455 : vector<16xf32>
    %mul3A_457 = arith.mulf %broadcast_in_dim3A_421, %broadcast_in_dim3A_421 : vector<16xf32>
    %mul3A_458 = arith.mulf %broadcast_in_dim3A_421, %mul3A_456 : vector<16xf32>
    %mul3A_459 = arith.mulf %mul3A_457, %mul3A_458 : vector<16xf32>
    %eq3A_460 = arith.constant 0 : i32
    %eq3A_461 = vector.broadcast %eq3A_460 : i32 to vector<16xi32>
    %eq3A_462 = arith.cmpi eq, %iota3A, %eq3A_461 : vector<16xi32>
    %jit3A_463 = arith.constant 0.000000e+00 : f32
    %broadcast_in_dim3A_464 = vector.broadcast %jit3A_463 : f32 to vector<16xf32>
    %select_n3A_465 = arith.select %eq3A_462, %mul3A_459, %broadcast_in_dim3A_464 : vector<16xi1>, vector<16xf32>
    %reduce_sum3A_466 = arith.constant true
    %reduce_sum3A_467 = vector.broadcast %reduce_sum3A_466 : i1 to vector<16xi1>
    %reduce_sum3A_468 = tpu.scan <sum>, %select_n3A_465 masked %reduce_sum3A_467 : vector<16xf32>, vector<16xi1> -> vector<16xf32>
    %reduce_sum3A_469 = vector.extract %reduce_sum3A_468[15] : f32 from vector<16xf32>
    %eq3A_470 = arith.constant 0 : i32
    %eq3A_471 = arith.cmpi eq, %reduce_sum3A_134, %eq3A_470 : i32
    %jit3A_472 = arith.constant 0.000000e+00 : f32
    %select_n3A_473 = arith.select %eq3A_471, %jit3A_472, %reduce_sum3A_469 : f32
    %mul3A_474 = arith.constant 5.000000e-01 : f32
    %mul3A_475 = arith.mulf %mul3A_474, %select_n3A_473 : f32
    %add3A_476 = arith.constant 1.000000e+00 : f32
    %add3A_477 = arith.addf %add3A_476, %mul3A_475 : f32
    %gt3A_478 = arith.constant 0 : i32
    %gt3A_479 = arith.cmpi sgt, %select_n3A_140, %gt3A_478 : i32
    %jit3A_480 = arith.constant 1.000000e+00 : f32
    %jit3A_481 = arith.constant 0.000000e+00 : f32
    %select_n3A_482 = arith.select %gt3A_479, %jit3A_480, %jit3A_481 : f32
    %broadcast_in_dim3A_483 = arith.constant 0.000000e+00 : f32
    %broadcast_in_dim3A_484 = vector.broadcast %broadcast_in_dim3A_483 : f32 to vector<16xf32>
    %get3A_485 = arith.constant 512 : index
    %get3A_486 = tpu.vector_load %arg7[%get3A_485] {strides = array<i32>} : memref<1024xf32, #tpu.memory_space<vmem>>, vector<16xf32>,
    %get3A_487 = arith.constant 640 : index
    %get3A_488 = tpu.vector_load %arg7[%get3A_487] {strides = array<i32>} : memref<1024xf32, #tpu.memory_space<vmem>>, vector<16xf32>,
    %sub3A_489 = arith.subf %get3A_486, %get3A_488 : vector<16xf32>
    %get3A_490 = arith.constant 768 : index
    %get3A_491 = tpu.vector_load %arg7[%get3A_490] {strides = array<i32>} : memref<1024xf32, #tpu.memory_space<vmem>>, vector<16xf32>,
    %get3A_492 = arith.constant 896 : index
    %get3A_493 = tpu.vector_load %arg7[%get3A_492] {strides = array<i32>} : memref<1024xf32, #tpu.memory_space<vmem>>, vector<16xf32>,
    %sub3A_494 = arith.subf %get3A_491, %get3A_493 : vector<16xf32>
    %mul3A_495 = vector.broadcast %select_n3A_482 : f32 to vector<16xf32>
    %mul3A_496 = arith.mulf %sub3A_494, %mul3A_495 : vector<16xf32>
    %mul3A_497 = arith.mulf %sub3A_489, %sub3A_489 : vector<16xf32>
    %add3A_498 = arith.addf %broadcast_in_dim3A_484, %mul3A_497 : vector<16xf32>
    %sub3A_499 = arith.subf %sub3A_489, %mul3A_496 : vector<16xf32>
    %abs3A_500 = math.absf %sub3A_499 : vector<16xf32>
    %add3A_501 = arith.addf %broadcast_in_dim3A_484, %abs3A_500 : vector<16xf32>
    %get3A_502 = arith.constant 528 : index
    %get3A_503 = tpu.vector_load %arg7[%get3A_502] {strides = array<i32>} : memref<1024xf32, #tpu.memory_space<vmem>>, vector<16xf32>,
    %get3A_504 = arith.constant 656 : index
    %get3A_505 = tpu.vector_load %arg7[%get3A_504] {strides = array<i32>} : memref<1024xf32, #tpu.memory_space<vmem>>, vector<16xf32>,
    %sub3A_506 = arith.subf %get3A_503, %get3A_505 : vector<16xf32>
    %get3A_507 = arith.constant 784 : index
    %get3A_508 = tpu.vector_load %arg7[%get3A_507] {strides = array<i32>} : memref<1024xf32, #tpu.memory_space<vmem>>, vector<16xf32>,
    %get3A_509 = arith.constant 912 : index
    %get3A_510 = tpu.vector_load %arg7[%get3A_509] {strides = array<i32>} : memref<1024xf32, #tpu.memory_space<vmem>>, vector<16xf32>,
    %sub3A_511 = arith.subf %get3A_508, %get3A_510 : vector<16xf32>
    %mul3A_512 = vector.broadcast %select_n3A_482 : f32 to vector<16xf32>
    %mul3A_513 = arith.mulf %sub3A_511, %mul3A_512 : vector<16xf32>
    %mul3A_514 = arith.mulf %sub3A_506, %sub3A_506 : vector<16xf32>
    %add3A_515 = arith.addf %add3A_498, %mul3A_514 : vector<16xf32>
    %sub3A_516 = arith.subf %sub3A_506, %mul3A_513 : vector<16xf32>
    %abs3A_517 = math.absf %sub3A_516 : vector<16xf32>
    %add3A_518 = arith.addf %add3A_501, %abs3A_517 : vector<16xf32>
    %get3A_519 = arith.constant 544 : index
    %get3A_520 = tpu.vector_load %arg7[%get3A_519] {strides = array<i32>} : memref<1024xf32, #tpu.memory_space<vmem>>, vector<16xf32>,
    %get3A_521 = arith.constant 672 : index
    %get3A_522 = tpu.vector_load %arg7[%get3A_521] {strides = array<i32>} : memref<1024xf32, #tpu.memory_space<vmem>>, vector<16xf32>,
    %sub3A_523 = arith.subf %get3A_520, %get3A_522 : vector<16xf32>
    %get3A_524 = arith.constant 800 : index
    %get3A_525 = tpu.vector_load %arg7[%get3A_524] {strides = array<i32>} : memref<1024xf32, #tpu.memory_space<vmem>>, vector<16xf32>,
    %get3A_526 = arith.constant 928 : index
    %get3A_527 = tpu.vector_load %arg7[%get3A_526] {strides = array<i32>} : memref<1024xf32, #tpu.memory_space<vmem>>, vector<16xf32>,
    %sub3A_528 = arith.subf %get3A_525, %get3A_527 : vector<16xf32>
    %mul3A_529 = vector.broadcast %select_n3A_482 : f32 to vector<16xf32>
    %mul3A_530 = arith.mulf %sub3A_528, %mul3A_529 : vector<16xf32>
    %mul3A_531 = arith.mulf %sub3A_523, %sub3A_523 : vector<16xf32>
    %add3A_532 = arith.addf %add3A_515, %mul3A_531 : vector<16xf32>
    %sub3A_533 = arith.subf %sub3A_523, %mul3A_530 : vector<16xf32>
    %abs3A_534 = math.absf %sub3A_533 : vector<16xf32>
    %add3A_535 = arith.addf %add3A_518, %abs3A_534 : vector<16xf32>
    %get3A_536 = arith.constant 560 : index
    %get3A_537 = tpu.vector_load %arg7[%get3A_536] {strides = array<i32>} : memref<1024xf32, #tpu.memory_space<vmem>>, vector<16xf32>,
    %get3A_538 = arith.constant 688 : index
    %get3A_539 = tpu.vector_load %arg7[%get3A_538] {strides = array<i32>} : memref<1024xf32, #tpu.memory_space<vmem>>, vector<16xf32>,
    %sub3A_540 = arith.subf %get3A_537, %get3A_539 : vector<16xf32>
    %get3A_541 = arith.constant 816 : index
    %get3A_542 = tpu.vector_load %arg7[%get3A_541] {strides = array<i32>} : memref<1024xf32, #tpu.memory_space<vmem>>, vector<16xf32>,
    %get3A_543 = arith.constant 944 : index
    %get3A_544 = tpu.vector_load %arg7[%get3A_543] {strides = array<i32>} : memref<1024xf32, #tpu.memory_space<vmem>>, vector<16xf32>,
    %sub3A_545 = arith.subf %get3A_542, %get3A_544 : vector<16xf32>
    %mul3A_546 = vector.broadcast %select_n3A_482 : f32 to vector<16xf32>
    %mul3A_547 = arith.mulf %sub3A_545, %mul3A_546 : vector<16xf32>
    %mul3A_548 = arith.mulf %sub3A_540, %sub3A_540 : vector<16xf32>
    %add3A_549 = arith.addf %add3A_532, %mul3A_548 : vector<16xf32>
    %sub3A_550 = arith.subf %sub3A_540, %mul3A_547 : vector<16xf32>
    %abs3A_551 = math.absf %sub3A_550 : vector<16xf32>
    %add3A_552 = arith.addf %add3A_535, %abs3A_551 : vector<16xf32>
    %get3A_553 = arith.constant 576 : index
    %get3A_554 = tpu.vector_load %arg7[%get3A_553] {strides = array<i32>} : memref<1024xf32, #tpu.memory_space<vmem>>, vector<16xf32>,
    %get3A_555 = arith.constant 704 : index
    %get3A_556 = tpu.vector_load %arg7[%get3A_555] {strides = array<i32>} : memref<1024xf32, #tpu.memory_space<vmem>>, vector<16xf32>,
    %sub3A_557 = arith.subf %get3A_554, %get3A_556 : vector<16xf32>
    %get3A_558 = arith.constant 832 : index
    %get3A_559 = tpu.vector_load %arg7[%get3A_558] {strides = array<i32>} : memref<1024xf32, #tpu.memory_space<vmem>>, vector<16xf32>,
    %get3A_560 = arith.constant 960 : index
    %get3A_561 = tpu.vector_load %arg7[%get3A_560] {strides = array<i32>} : memref<1024xf32, #tpu.memory_space<vmem>>, vector<16xf32>,
    %sub3A_562 = arith.subf %get3A_559, %get3A_561 : vector<16xf32>
    %mul3A_563 = vector.broadcast %select_n3A_482 : f32 to vector<16xf32>
    %mul3A_564 = arith.mulf %sub3A_562, %mul3A_563 : vector<16xf32>
    %mul3A_565 = arith.mulf %sub3A_557, %sub3A_557 : vector<16xf32>
    %add3A_566 = arith.addf %add3A_549, %mul3A_565 : vector<16xf32>
    %sub3A_567 = arith.subf %sub3A_557, %mul3A_564 : vector<16xf32>
    %abs3A_568 = math.absf %sub3A_567 : vector<16xf32>
    %add3A_569 = arith.addf %add3A_552, %abs3A_568 : vector<16xf32>
    %get3A_570 = arith.constant 592 : index
    %get3A_571 = tpu.vector_load %arg7[%get3A_570] {strides = array<i32>} : memref<1024xf32, #tpu.memory_space<vmem>>, vector<16xf32>,
    %get3A_572 = arith.constant 720 : index
    %get3A_573 = tpu.vector_load %arg7[%get3A_572] {strides = array<i32>} : memref<1024xf32, #tpu.memory_space<vmem>>, vector<16xf32>,
    %sub3A_574 = arith.subf %get3A_571, %get3A_573 : vector<16xf32>
    %get3A_575 = arith.constant 848 : index
    %get3A_576 = tpu.vector_load %arg7[%get3A_575] {strides = array<i32>} : memref<1024xf32, #tpu.memory_space<vmem>>, vector<16xf32>,
    %get3A_577 = arith.constant 976 : index
    %get3A_578 = tpu.vector_load %arg7[%get3A_577] {strides = array<i32>} : memref<1024xf32, #tpu.memory_space<vmem>>, vector<16xf32>,
    %sub3A_579 = arith.subf %get3A_576, %get3A_578 : vector<16xf32>
    %mul3A_580 = vector.broadcast %select_n3A_482 : f32 to vector<16xf32>
    %mul3A_581 = arith.mulf %sub3A_579, %mul3A_580 : vector<16xf32>
    %mul3A_582 = arith.mulf %sub3A_574, %sub3A_574 : vector<16xf32>
    %add3A_583 = arith.addf %add3A_566, %mul3A_582 : vector<16xf32>
    %sub3A_584 = arith.subf %sub3A_574, %mul3A_581 : vector<16xf32>
    %abs3A_585 = math.absf %sub3A_584 : vector<16xf32>
    %add3A_586 = arith.addf %add3A_569, %abs3A_585 : vector<16xf32>
    %get3A_587 = arith.constant 608 : index
    %get3A_588 = tpu.vector_load %arg7[%get3A_587] {strides = array<i32>} : memref<1024xf32, #tpu.memory_space<vmem>>, vector<16xf32>,
    %get3A_589 = arith.constant 736 : index
    %get3A_590 = tpu.vector_load %arg7[%get3A_589] {strides = array<i32>} : memref<1024xf32, #tpu.memory_space<vmem>>, vector<16xf32>,
    %sub3A_591 = arith.subf %get3A_588, %get3A_590 : vector<16xf32>
    %get3A_592 = arith.constant 864 : index
    %get3A_593 = tpu.vector_load %arg7[%get3A_592] {strides = array<i32>} : memref<1024xf32, #tpu.memory_space<vmem>>, vector<16xf32>,
    %get3A_594 = arith.constant 992 : index
    %get3A_595 = tpu.vector_load %arg7[%get3A_594] {strides = array<i32>} : memref<1024xf32, #tpu.memory_space<vmem>>, vector<16xf32>,
    %sub3A_596 = arith.subf %get3A_593, %get3A_595 : vector<16xf32>
    %mul3A_597 = vector.broadcast %select_n3A_482 : f32 to vector<16xf32>
    %mul3A_598 = arith.mulf %sub3A_596, %mul3A_597 : vector<16xf32>
    %mul3A_599 = arith.mulf %sub3A_591, %sub3A_591 : vector<16xf32>
    %add3A_600 = arith.addf %add3A_583, %mul3A_599 : vector<16xf32>
    %sub3A_601 = arith.subf %sub3A_591, %mul3A_598 : vector<16xf32>
    %abs3A_602 = math.absf %sub3A_601 : vector<16xf32>
    %add3A_603 = arith.addf %add3A_586, %abs3A_602 : vector<16xf32>
    %get3A_604 = arith.constant 624 : index
    %get3A_605 = tpu.vector_load %arg7[%get3A_604] {strides = array<i32>} : memref<1024xf32, #tpu.memory_space<vmem>>, vector<16xf32>,
    %get3A_606 = arith.constant 752 : index
    %get3A_607 = tpu.vector_load %arg7[%get3A_606] {strides = array<i32>} : memref<1024xf32, #tpu.memory_space<vmem>>, vector<16xf32>,
    %sub3A_608 = arith.subf %get3A_605, %get3A_607 : vector<16xf32>
    %get3A_609 = arith.constant 880 : index
    %get3A_610 = tpu.vector_load %arg7[%get3A_609] {strides = array<i32>} : memref<1024xf32, #tpu.memory_space<vmem>>, vector<16xf32>,
    %get3A_611 = arith.constant 1008 : index
    %get3A_612 = tpu.vector_load %arg7[%get3A_611] {strides = array<i32>} : memref<1024xf32, #tpu.memory_space<vmem>>, vector<16xf32>,
    %sub3A_613 = arith.subf %get3A_610, %get3A_612 : vector<16xf32>
    %mul3A_614 = vector.broadcast %select_n3A_482 : f32 to vector<16xf32>
    %mul3A_615 = arith.mulf %sub3A_613, %mul3A_614 : vector<16xf32>
    %mul3A_616 = arith.mulf %sub3A_608, %sub3A_608 : vector<16xf32>
    %add3A_617 = arith.addf %add3A_600, %mul3A_616 : vector<16xf32>
    %sub3A_618 = arith.subf %sub3A_608, %mul3A_615 : vector<16xf32>
    %abs3A_619 = math.absf %sub3A_618 : vector<16xf32>
    %add3A_620 = arith.addf %add3A_603, %abs3A_619 : vector<16xf32>
    %reduce_sum3A_621 = arith.constant true
    %reduce_sum3A_622 = vector.broadcast %reduce_sum3A_621 : i1 to vector<16xi1>
    %reduce_sum3A_623 = tpu.scan <sum>, %add3A_617 masked %reduce_sum3A_622 : vector<16xf32>, vector<16xi1> -> vector<16xf32>
    %reduce_sum3A_624 = vector.extract %reduce_sum3A_623[15] : f32 from vector<16xf32>
    %reduce_sum3A_625 = arith.constant true
    %reduce_sum3A_626 = vector.broadcast %reduce_sum3A_625 : i1 to vector<16xi1>
    %reduce_sum3A_627 = tpu.scan <sum>, %add3A_620 masked %reduce_sum3A_626 : vector<16xf32>, vector<16xi1> -> vector<16xf32>
    %reduce_sum3A_628 = vector.extract %reduce_sum3A_627[15] : f32 from vector<16xf32>
    %add3A_629 = arith.addf %reduce_sum3A_624, %reduce_sum3A_628 : f32
    %mul3A_630 = arith.mulf %add3A_477, %add3A_629 : f32
    %add3A_631 = arith.addf %add3A_417, %mul3A_630 : f32
    %eq3A_632 = arith.constant 0 : i32
    %eq3A_633 = vector.broadcast %eq3A_632 : i32 to vector<16xi32>
    %eq3A_634 = arith.cmpi eq, %iota3A, %eq3A_633 : vector<16xi32>
    %broadcast_in_dim3A_635 = vector.broadcast %add3A_631 : f32 to vector<16xf32>
    %broadcast_in_dim3A_636 = arith.constant 0.000000e+00 : f32
    %broadcast_in_dim3A_637 = vector.broadcast %broadcast_in_dim3A_636 : f32 to vector<16xf32>
    %select_n3A_638 = arith.select %eq3A_634, %broadcast_in_dim3A_635, %broadcast_in_dim3A_637 : vector<16xi1>, vector<16xf32>
    %swap3A = arith.constant 0 : index
    %swap3A_639 = tpu.vector_load %arg8[%swap3A] {strides = array<i32>} : memref<16xf32, #tpu.memory_space<vmem>>, vector<16xf32>,
    tpu.vector_store %arg8[%swap3A], %select_n3A_638 {strides = array<i32>} : memref<16xf32, #tpu.memory_space<vmem>>, vector<16xf32>,
    "tpu.region"() ({
      %run_scoped3A = tpu.sem_alloc : memref<!tpu.dma_semaphore, #tpu.memory_space<semaphore_mem>>
      %dma_start3A_640 = arith.constant 0 : i32
      %dma_start3A_641 = tpu.memref_slice %arg4[%add3A, %dma_start3A_640] : memref<32x16xf32, #tpu.memory_space<hbm>> -> memref<1x16xf32, #tpu.memory_space<hbm>>
      %dma_start3A_642 = tpu.memref_squeeze %dma_start3A_641 : memref<1x16xf32, #tpu.memory_space<hbm>> -> memref<16xf32, #tpu.memory_space<hbm>>
      %dma_start3A_643 = arith.constant 0 : i32
      %dma_start3A_644 = tpu.memref_slice %arg4[%add3A, %dma_start3A_643] : memref<32x16xf32, #tpu.memory_space<hbm>> -> memref<1x16xf32, #tpu.memory_space<hbm>>
      %dma_start3A_645 = tpu.memref_squeeze %dma_start3A_644 : memref<1x16xf32, #tpu.memory_space<hbm>> -> memref<16xf32, #tpu.memory_space<hbm>>
      tpu.enqueue_dma source(%arg8 : memref<16xf32, #tpu.memory_space<vmem>>) target(%dma_start3A_645 : memref<16xf32, #tpu.memory_space<hbm>>) target_semaphore(%run_scoped3A : memref<!tpu.dma_semaphore, #tpu.memory_space<semaphore_mem>>)
      %dma_wait3A_646 = arith.constant 0 : i32
      %dma_wait3A_647 = tpu.memref_slice %arg4[%add3A, %dma_wait3A_646] : memref<32x16xf32, #tpu.memory_space<hbm>> -> memref<1x16xf32, #tpu.memory_space<hbm>>
      %dma_wait3A_648 = tpu.memref_squeeze %dma_wait3A_647 : memref<1x16xf32, #tpu.memory_space<hbm>> -> memref<16xf32, #tpu.memory_space<hbm>>
      %dma_wait3A_649 = arith.constant 0 : i32
      %dma_wait3A_650 = tpu.memref_slice %arg4[%add3A, %dma_wait3A_649] : memref<32x16xf32, #tpu.memory_space<hbm>> -> memref<1x16xf32, #tpu.memory_space<hbm>>
      %dma_wait3A_651 = tpu.memref_squeeze %dma_wait3A_650 : memref<1x16xf32, #tpu.memory_space<hbm>> -> memref<16xf32, #tpu.memory_space<hbm>>
      tpu.wait_dma2 semaphore(%run_scoped3A : memref<!tpu.dma_semaphore, #tpu.memory_space<semaphore_mem>>) src(%arg8 : memref<16xf32, #tpu.memory_space<vmem>>) dst(%dma_wait3A_651 : memref<16xf32, #tpu.memory_space<hbm>>)
      tpu.yield
    }) : () -> ()
    return
  }
}

</mosaic_0001>

<sc_bundles>
// kernel: _sc_loss.3.cloned.1.call-start
scs
__scs_entry_jumppad:
0x0: {  	(pc) =	sbr.rel $0x88, $3  }
0x1: {  	(tag) =	ssettag $0x0;
	lr =	simm.s32 $0x1  }
0x2: {  	[smem:$0x3F9F] =	sst lr;
	_ =	strace $0xD0000000  }
0x3: {  	_ = 	snop  }
0x4: {  	_ = 	snop  }
0x5: {  	_ = 	snop  }
0x6: {  	_ = 	snop  }
0x7: {  	_ = 	snop  }
__scs_overlays_trampoline_lowered:
0x8: {  	[smem:$0x3FAE] =	sst s0  }
0x9: {  	[smem:$0x3FAF] =	sst s1  }
0xa: {  	[smem:$0x3FB0] =	sst s2  }
0xb: {  	[smem:$0x3FB1] =	sst s3  }
0xc: {  	[smem:$0x3FB2] =	sst s4  }
0xd: {  	[smem:$0x3FB3] =	sst s5  }
0xe: {  	[smem:$0x3FB4] =	sst s6  }
0xf: {  	[smem:$0x3FB5] =	sst s7  }
0x10: {  	[smem:$0x3FB6] =	sst s8  }
0x11: {  	[smem:$0x3FB7] =	sst s9;
	s0 =	simm.s32 @!p0 $0x0  }
0x12: {  	s1 =	sld [smem:$0x3F9D];
	s0 =	simm.s32 @p0 $0x1  }
0x13: {  	[smem:$0x3FB8] =	sst s0;
	s0 =	simm.s32 @!p1 $0x0  }
0x14: {  	s2 =	sld [smem:$0x3F9C];
	s0 =	simm.s32 @p1 $0x1  }
0x15: {  	[smem:$0x3FB9] =	sst s0;
	s0 =	simm.s32 @!p2 $0x0  }
0x16: {  	s3 =	sld [smem:$0x3FDB];
	s0 =	simm.s32 @p2 $0x1  }
0x17: {  	s4 =	simm.s32 $0x1BF5;
	[smem:$0x3FBB] =	sst s0  }
0x18: {  	s0 =	sld [smem:$0x3F9E];
	_ =	swait.ge [sflag:s4], $0x0  }
0x19: {  	s7 =	sld [smem:$0x3F9F]  }
0x1a: {  	s8 =	sadd.s32 $0xFFFFE003, lr  }
0x1b: {  	s9 =	sadd.s32 $0xFFFFFEF7, lr;
	s5 =	simm.s32 $0xFFFFFFFF;
	p2 =	slt.u32 s8, $0xFFFFF086  }
0x1c: {  	p1 =	slt.u32 s9, $0xF7A;
	s5 =	simm.s32 @!p2 $0x0  }
0x1d: {  	s5 =	simm.s32 @p1 $0x1;
	p0 =	seq.s32 s7, s2  }
0x1e: {  	s7 =	smul.u32 @!p0 $0xF7A, s2;
	p2 =	seq.s32 @!p0 s5, $0x0  }
0x1f: {  	s9 =	smul.u32 $0xF7A, s1;
	s8 =	simm.s32 @!p0 $0x1BF5;
	p2 =	por !p2, p0  }
0x20: {  	[sflag:s8] =	ssyncset.s32 @!p0 $0xFFFFF086;
	s6 =	sadd.s32 @!p0 s3, s7;
	s7 =	simm.s32 @!p0 $0x108  }
0x21: {  	s3 =	sadd.s32 s3, s9;
	s6 =	sadd.s32 @!p0 $0x88, s6;
	s7 =	simm.s32 @p2 $0x1082  }
0x22: {  	[simem:s7], [sflag:s8] =	dma.local @!p0 [hbm:s6], $0xF7A  }
0x23: {  	s9 =	sor.u32 $0xD0000000, s2;
	s6 =	simm.s32 $0x108;
	_ =	swait.ge @!p0 [sflag:s8], $0x0  }
0x24: {  	s3 =	sadd.s32 $0x88, s3;
	s6 =	simm.s32 @!p1 $0x1082;
	[sflag:s4] =	ssyncset.s32 $0xFFFFF086  }
0x25: {  	[simem:s6], [sflag:s4] =	dma.local [hbm:s3], $0xF7A  }
0x26: {  	[smem:$0x3F9F] =	sst s1;
	(tag) =	ssettag s2;
	_ =	strace s9  }
0x27: {  	s1 =	sld [smem:$0x3FAF]  }
0x28: {  	s2 =	sld [smem:$0x3FB0]  }
0x29: {  	s4 =	sld [smem:$0x3FB2]  }
0x2a: {  	p0 =	seq.s32 s5, $0x0;
	s5 =	sld [smem:$0x3FB3]  }
0x2b: {  	s6 =	sld [smem:$0x3FB4]  }
0x2c: {  	s7 =	sld [smem:$0x3FB5]  }
0x2d: {  	s3 =	simm.s32 $0x108;
	s8 =	sld [smem:$0x3FB6]  }
0x2e: {  	s3 =	simm.s32 @!p0 $0x1082;
	s9 =	sld [smem:$0x3FB7]  }
0x2f: {  	lr =	sadd.s32 s0, s3;
	s0 =	sld [smem:$0x3FAE]  }
0x30: {  	s3 =	sld [smem:$0x3FB1]  }
0x31: {  	[smem:$0x3FBA] =	sst s10  }
0x32: {  	s10 =	sld [smem:$0x3FB8];
	_ =	sdelay $0x3  }
0x33: {  	p0 =	seq.s32 s10, $0x1;
	s10 =	sld [smem:$0x3FBA];
	_ =	sdelay $0x3  }
0x34: {  	[smem:$0x3FBA] =	sst s10  }
0x35: {  	s10 =	sld [smem:$0x3FB9];
	_ =	sdelay $0x3  }
0x36: {  	p1 =	seq.s32 s10, $0x1;
	s10 =	sld [smem:$0x3FBA];
	_ =	sdelay $0x3  }
0x37: {  	[smem:$0x3FBA] =	sst s10  }
0x38: {  	s10 =	sld [smem:$0x3FBB]  }
0x39: {  	_ = 	snop;
	(pc) =	sbr.ind lr, $3  }
0x3a: {  	_ = 	snop  }
0x3b: {  	_ = 	snop  }
0x3c: {  	p2 =	seq.s32 s10, $0x1;
	s10 =	sld [smem:$0x3FBA]  }
0x3d: {  	_ =	shalt  }
0x3e: {  	_ =	shalt  }
0x3f: {  	_ =	shalt  }
0x40: {  	_ =	shalt  }
0x41: {  	_ =	shalt  }
0x42: {  	_ =	shalt  }
0x43: {  	_ =	shalt  }
0x44: {  	_ =	shalt  }
0x45: {  	_ =	shalt  }
0x46: {  	_ =	shalt  }
0x47: {  	_ =	shalt  }
0x48: {  	_ =	shalt  }
0x49: {  	_ =	shalt  }
0x4a: {  	_ =	shalt  }
0x4b: {  	_ =	shalt  }
0x4c: {  	_ =	shalt  }
0x4d: {  	_ =	shalt  }
0x4e: {  	_ =	shalt  }
0x4f: {  	_ =	shalt  }
0x50: {  	_ =	shalt  }
0x51: {  	_ =	shalt  }
0x52: {  	_ =	shalt  }
0x53: {  	_ =	shalt  }
0x54: {  	_ =	shalt  }
0x55: {  	_ =	shalt  }
0x56: {  	_ =	shalt  }
0x57: {  	_ =	shalt  }
0x58: {  	_ =	shalt  }
0x59: {  	_ =	shalt  }
0x5a: {  	_ =	shalt  }
0x5b: {  	_ =	shalt  }
0x5c: {  	_ =	shalt  }
0x5d: {  	_ =	shalt  }
0x5e: {  	_ =	shalt  }
0x5f: {  	_ =	shalt  }
0x60: {  	_ =	shalt  }
0x61: {  	_ =	shalt  }
0x62: {  	_ =	shalt  }
0x63: {  	_ =	shalt  }
0x64: {  	_ =	shalt  }
0x65: {  	_ =	shalt  }
0x66: {  	_ =	shalt  }
0x67: {  	_ =	shalt  }
0x68: {  	_ =	shalt  }
0x69: {  	_ =	shalt  }
0x6a: {  	_ =	shalt  }
0x6b: {  	_ =	shalt  }
0x6c: {  	_ =	shalt  }
0x6d: {  	_ =	shalt  }
0x6e: {  	_ =	shalt  }
0x6f: {  	_ =	shalt  }
0x70: {  	_ =	shalt  }
0x71: {  	_ =	shalt  }
0x72: {  	_ =	shalt  }
0x73: {  	_ =	shalt  }
0x74: {  	_ =	shalt  }
0x75: {  	_ =	shalt  }
0x76: {  	_ =	shalt  }
0x77: {  	_ =	shalt  }
0x78: {  	_ =	shalt  }
0x79: {  	_ =	shalt  }
0x7a: {  	_ =	shalt  }
0x7b: {  	_ =	shalt  }
0x7c: {  	_ =	shalt  }
0x7d: {  	_ =	shalt  }
0x7e: {  	_ =	shalt  }
0x7f: {  	_ =	shalt  }
0x80: {  	_ =	shalt  }
0x81: {  	_ =	shalt  }
0x82: {  	_ =	shalt  }
0x83: {  	_ =	shalt  }
0x84: {  	_ =	shalt  }
0x85: {  	_ =	shalt  }
0x86: {  	_ =	shalt  }
0x87: {  	_ =	shalt  }
.Lfunc_end0:
.L_simem_size_0:
called_computation_lowered:
.L_overlay_start_0:
0x88: {  	s2 =	sld [smem:$0x3FD9]  }
0x89: {  	s3 =	sld [smem:$0x3FFE];
	_ =	sdelay $0x1  }
0x8a: {  	s1 =	srdreg.scid  }
0x8b: {  	s0 =	sand.u32 $0x1, s1  }
0x8c: {  	s17 =	sshll.u32 s0, $0xA;
	s2 =	sadd.s32 s3, s2  }
0x8d: {  	s2 =	sadd.s32 s2, s17  }
0x8e: {  	[smem:$0x3FC6] =	sst s2  }
0x8f: {  	_ = 	snop  }
0x90: {  	s2 =	sld [smem:$0x3FC9]  }
0x91: {  	s18 =	sld [smem:$0x3FC8];
	(tm) =	ssettm $0x1  }
0x92: {  	s4 =	sld [smem:$0x3FFB];
	_ =	sdelay $0x3  }
0x93: {  	_ =	strace s4  }
0x94: {  	s4 =	sld [smem:$0x3FFC];
	_ =	sdelay $0x3  }
0x95: {  	_ =	strace s4  }
0x96: {  	s4 =	sld [smem:$0x3FFD];
	_ =	sdelay $0x3  }
0x97: {  	_ =	strace s4  }
0x98: {  	_ =	strace $0x8FFFFFFF  }
0x99: {  	s19 =	sld [smem:$0x3FDB];
	_ =	sdelay $0x1  }
0x9a: {  	s5 =	simm.s32 $_scs_section_size  }
0x9b: {  	s6 =	simm.s32 $_size__tile_overlayer_lowered;
	s7 =	simm.s32 $_tile_overlayer_lowered  }
0x9c: {  	s22 =	simm.s32 $0x1BFF;
	s21 =	sshll.u32 s7, $0x1;
	s4 =	sadd.s32 s5, s19  }
0x9d: {  	s8 =	simm.s32 $0x0;
	s20 =	sshll.u32 s6, $0x1;
	s6 =	sadd.s32 s21, s4  }
0x9e: {  	[timem:s8], [sflag:s22] =	dma.local [hbm:s6], s20  }
0x9f: {  	_ =	swait.ge [sflag:s22], s20  }
0xa0: {  	s5 =	ssub.s32 $0x0, s20;
	[sflag:s22] =	ssyncset.done $0x0  }
0xa1: {  	[sflag:s22] =	ssyncadd.s32 s5;
	_ =	sdelay $0x1  }
0xa2: {  	s23 =	simm.s32 $0x1B8B  }
0xa3: {  	_ =	swait.ge [sflag:s23], $0x1  }
0xa4: {  	[sflag:s23] =	ssyncset.done $0x0  }
0xa5: {  	s25 =	simm.s32 $0x1B8E;
	s24 =	sld [smem:$0x3FFE];
	[sflag:s23] =	ssyncadd.s32 $0xFFFFFFFF  }
0xa6: {  	s26 =	simm.s32 $execute0_lowered;
	[smem:$0x3FD2] =	sst s25  }
0xa7: {  	s6 =	sshll.u32 s26, $0x1;
	_ =	strace $0x80000046;
	[dreg:$0x1] =	wrdreg $0xFFFFFFFF  }
0xa8: {  	s28 =	simm.s32 $_size_execute0_lowered;
	s4 =	sadd.s32 s4, s6;
	[dreg:$0x0] =	wrdreg $0x0  }
0xa9: {  	s6 =	sshll.u32 s28, $0x1;
	[dreg:$0x2] =	wrdreg s4  }
0xaa: {  	[dreg:$0x3] =	wrdreg s6  }
0xab: {  	[dreg:$0x4] =	wrdreg $0xC0  }
0xac: {  	_ =	task [dreg:s8], $0x5FFFF  }
0xad: {  	[dreg:$0x1] =	wrdreg $0xFFFFFFFF  }
0xae: {  	[dreg:$0x0] =	wrdreg $0x60  }
0xaf: {  	[dreg:$0x2] =	wrdreg s2  }
0xb0: {  	[dreg:$0x3] =	wrdreg s18  }
0xb1: {  	[dreg:$0x4] =	wrdreg s24  }
0xb2: {  	[dreg:$0x5] =	wrdreg $0x9  }
0xb3: {  	_ =	task.clear_ibuf [dreg:s8], $0x6FFFF;
	_ =	strace $0x90000046  }
0xb4: {  	s29 =	simm.s32 $0x9;
	_ =	strace $0x80000048  }
0xb5: {  	_ =	swait.ge [sflag:s29], $0x1  }
0xb6: {  	[sflag:s29] =	ssyncadd.s32 $0xFFFFFFFF  }
0xb7: {  	_ =	strace $0x90000048  }
0xb8: {  	_ =	sfence  }
0xb9: {  	s30 =	sld [smem:$0x0];
	_ =	sdelay $0x2  }
0xba: {  	s31 =	sshll.u32 s1, $0xD;
	s1 =	sshrl.u32 s1, $0x2  }
0xbb: {  	s3 =	sand.u32 $0x4000, s31;
	s1 =	sadd.s32 s1, s30  }
0xbc: {  	s0 =	sor.u32 s3, s0;
	s1 =	sshll.u32 s1, $0x11  }
0xbd: {  	s0 =	sor.u32 s1, s0  }
0xbe: {  	s0 =	sadd.s32 $0x8F2B, s0  }
0xbf: {  	[sflag:s0] =	ssyncadd.remote.s32 $0x1  }
0xc0: {  	_ =	sfence.sel $0xFFFF  }
0xc1: {  	[dreg:$0x0] =	wrdreg $0xFFFFFFFF;
	(pc) =	sbr.abs _section_cstart, $3  }
0xc2: {  	[dreg:$0x1] =	wrdreg $0xFFFFFFFF  }
0xc3: {  	_ =	task.clear_ibuf [dreg:s8], $0x2FFFF;
	_ =	strace $0x9FFFFFFF  }
0xc4: {  	(tm) =	ssettm $0x7FFFFFFF  }
0xc5: {  	_ =	shalt  }
tec
execute0_lowered:
.L_overlay_start_1:
0x0: {  	(tag) =	ssettag $0x1  }
0x1: {  	s1 =	rddreg [dreg:$0x0]  }
0x2: {  	s2 =	rddreg [dreg:$0x1]  }
0x3: {  	s0 =	rddreg [dreg:$0x2];
	s3 =	simm.s32 $0x0  }
0x4: {  	s4 =	srdreg.scid;
	s17 =	stileid.u32;
	s18 =	simm.s32 $0x100  }
0x5: {  	s28 =	simm.s32 $0x1;
	s29 =	simm.s32 $0x2;
	s30 =	simm.s32 $0x3  }
0x6: {  	[smem:$0x7FF] =	sst s3;
	s4 =	sand.u32 $0x1, s4;
	s6 =	sshll.u32 s17, $0x4  }
0x7: {  	_ =	strace $0x80000047;
	s5 =	sshll.u32 s4, $0x4;
	s7 =	ssub.s32 $0x2, s4  }
0x8: {  	s25 =	sand.u32 $0x70, s6;
	s4 =	sshll.u32 s4, $0x17;
	s13 =	sor.u32 s17, s5  }
0x9: {  	s26 =	sshrl.u32 s7, $0x1;
	s0 =	sadd.s32 s25, s0;
	s17 =	sshll.u32 s17, $0x13  }
0xa: {  	s14 =	sshll.u32 s13, $0x10;
	s16 =	ssub.s32 s7, s26;
	s5 =	sshll.u32 s13, $0xC  }
0xb: {  	s15 =	sshll.u32 s13, $0x4;
	s17 =	sor.u32 s17, s4;
	s4 =	simm.s32 $0x0  }
0xc: {  	s31 =	sor.u32 $0x7FF0, s14;
	s9 =	sor.u32 $0x7FE0, s14;
	s12 =	sor.u32 $0xFFF0, s14  }
0xd: {  	s10 =	sor.u32 $0x800, s5;
	s14 =	sor.u32 $0xFFE0, s14;
	s15 =	sand.u32 $0x180, s15  }
0xe: {  	s16 =	smax.u32 s16, $0x1;
	s6 =	sadd.s32 s1, s31;
	s7 =	sadd.s32 s2, s31  }
0xf: {  	v0 =	vlaneseq.u32;
	s8 =	sadd.s32 s1, s9;
	s9 =	sadd.s32 s2, s9;
	s11 =	sadd.s32 s1, s12  }
0x10: {  	v0 =	vmul.u32 $0x80, v0;
	s12 =	sadd.s32 s2, s12;
	s13 =	sadd.s32 s1, s14;
	s0 =	sadd.s32 s15, s0  }
0x11: {  	v1 =	vimm.s32 $0x0;
	vm0 =	vmmov $0x1;
	vm1 =	vcmask $0x300;
	s14 =	sadd.s32 s2, s14;
	s15 =	sadd.s32 $0x400, s0;
	s0 =	simm.s32 $0x4  }
.LBB2_1:
0x12: {  	s19 =	sadd.s32 $0x0, s17  }
0x13: {  	s20 =	sadd.s32 $0x801, s19  }
0x14: {  	s21 =	sadd.s32 $0x1001, s19;
	v2 =	vor.u32 s20, v0  }
0x15: {  	s23 =	sadd.s32 $0x1801, s19;
	[tilespmem:s3+$0x10] =	vst v2;
	v2 =	vor.u32 s21, v0  }
0x16: {  	s24 =	sadd.s32 $0x2001, s19;
	[tilespmem:s3+$0x20] =	vst v2;
	v2 =	vor.u32 s23, v0  }
0x17: {  	s25 =	sadd.s32 $0x2801, s19;
	[tilespmem:s3+$0x30] =	vst v2;
	v2 =	vor.u32 s24, v0  }
0x18: {  	s26 =	sadd.s32 $0x3001, s19;
	[tilespmem:s3+$0x40] =	vst v2;
	v2 =	vor.u32 s25, v0  }
0x19: {  	s31 =	sadd.s32 $0x3801, s19;
	[tilespmem:s3+$0x50] =	vst v2;
	v2 =	vor.u32 s26, v0  }
0x1a: {  	s21 =	sadd.s32 $0x4001, s19;
	[tilespmem:s3+$0x60] =	vst v2;
	v2 =	vor.u32 s31, v0  }
0x1b: {  	s22 =	sadd.s32 $0x4801, s19;
	[tilespmem:s3+$0x70] =	vst v2;
	v2 =	vor.u32 s21, v0  }
0x1c: {  	s23 =	sadd.s32 $0x5001, s19;
	[tilespmem:s3+$0x80] =	vst v2;
	v2 =	vor.u32 s22, v0  }
0x1d: {  	s24 =	sadd.s32 $0x5801, s19;
	[tilespmem:s3+$0x90] =	vst v2;
	v2 =	vor.u32 s23, v0  }
0x1e: {  	s25 =	sadd.s32 $0x6001, s19;
	[tilespmem:s3+$0xA0] =	vst v2;
	v2 =	vor.u32 s24, v0  }
0x1f: {  	s26 =	sadd.s32 $0x6801, s19;
	[tilespmem:s3+$0xB0] =	vst v2;
	v2 =	vor.u32 s25, v0  }
0x20: {  	s20 =	simm.s32 $0x1000;
	s31 =	sadd.s32 $0x7001, s19;
	s21 =	simm.s32 $0x0;
	[tilespmem:s3+$0xC0] =	vst v2;
	v2 =	vor.u32 s26, v0  }
0x21: {  	s22 =	simm.s32 $0x0;
	s23 =	simm.s32 $0x8000;
	s24 =	sadd.s32 $0x7801, s19;
	[tilespmem:s3+$0xD0] =	vst v2;
	v2 =	vor.u32 s31, v0  }
.LBB2_2:
0x22: {  	p0 =	sne.s32 s23, $0x38000;
	s25 =	sadd.s32 $0x1, s19;
	s19 =	sadd.s32 s23, s17;
	[tilespmem:s21+$0xE0] =	vst v2;
	v2 =	vor.u32 s24, v0  }
0x23: {  	s21 =	sadd.s32 $0x100, s21;
	s24 =	sadd.s32 $0x801, s19;
	s26 =	sadd.s32 $0x1001, s19;
	v3 =	vor.u32 s25, v0;
	[tilespmem:s22+$0xF0] =	vst v2  }
0x24: {  	v2 =	vor.u32 s24, v0;
	[tilespmem:s22+$0x0] =	vst v3;
	[tilespmem:s20], [sflag:$0x1] =	stream.indirect.gather [hbm4b:s2+s18], $0x1, s22, s18, $0xb8  }
0x25: {  	s24 =	sadd.s32 $0x1801, s19;
	s22 =	smov.u32 s21;
	[tilespmem:s21+$0x10] =	vst v2;
	v2 =	vor.u32 s26, v0  }
0x26: {  	[tilespmem:s21+$0x20] =	vst v2;
	v2 =	vor.u32 s24, v0;
	s24 =	sadd.s32 $0x2001, s19  }
0x27: {  	[tilespmem:s21+$0x30] =	vst v2;
	v2 =	vor.u32 s24, v0;
	s24 =	sadd.s32 $0x2801, s19  }
0x28: {  	[tilespmem:s21+$0x40] =	vst v2;
	v2 =	vor.u32 s24, v0;
	s24 =	sadd.s32 $0x3001, s19  }
0x29: {  	[tilespmem:s21+$0x50] =	vst v2;
	v2 =	vor.u32 s24, v0;
	s24 =	sadd.s32 $0x3801, s19  }
0x2a: {  	[tilespmem:s21+$0x60] =	vst v2;
	v2 =	vor.u32 s24, v0;
	s24 =	sadd.s32 $0x4001, s19  }
0x2b: {  	[tilespmem:s21+$0x70] =	vst v2;
	v2 =	vor.u32 s24, v0;
	s24 =	sadd.s32 $0x4801, s19  }
0x2c: {  	[tilespmem:s21+$0x80] =	vst v2;
	v2 =	vor.u32 s24, v0;
	s24 =	sadd.s32 $0x5001, s19  }
.Ltmp0:
0x2d: {  	[tilespmem:s21+$0x90] =	vst v2;
	v2 =	vor.u32 s24, v0;
	s24 =	sadd.s32 $0x5801, s19;
	(pc) =	sbr.rel @p0 .LBB2_2-.Ltmp0, $4  }
0x2e: {  	[tilespmem:s21+$0xA0] =	vst v2;
	v2 =	vor.u32 s24, v0;
	s24 =	sadd.s32 $0x6001, s19  }
0x2f: {  	[tilespmem:s21+$0xB0] =	vst v2;
	v2 =	vor.u32 s24, v0;
	s24 =	sadd.s32 $0x6801, s19  }
0x30: {  	[tilespmem:s21+$0xC0] =	vst v2;
	v2 =	vor.u32 s24, v0;
	s24 =	sadd.s32 $0x7001, s19  }
0x31: {  	s23 =	sadd.s32 $0x8000, s23;
	s20 =	sadd.s32 $0x100, s20;
	[tilespmem:s21+$0xD0] =	vst v2;
	v2 =	vor.u32 s24, v0;
	s24 =	sadd.s32 $0x7801, s19  }
0x32: {  	s19 =	sadd.s32 $0x1, s19;
	[tilespmem:s21+$0xE0] =	vst v2;
	v2 =	vor.u32 s24, v0  }
0x33: {  	v3 =	vor.u32 s19, v0;
	[tilespmem:s22+$0xF0] =	vst v2;
	s19 =	sadd.s32 $0x0, s17  }
0x34: {  	[tilespmem:s22+$0x0] =	vst v3;
	s26 =	sadd.s32 $0x40801, s19  }
0x35: {  	[tilespmem:s20], [sflag:$0x1] =	stream.indirect.gather [hbm4b:s2+s18], $0x1, s22, s18, $0xb8;
	[tilespmem:$0x2480] =	vst v63  }
0x36: {  	s31 =	sadd.s32 $0x41001, s19;
	s22 =	simm.s32 $0x800;
	v2 =	vor.u32 s26, v0  }
0x37: {  	s21 =	sadd.s32 $0x41801, s19;
	[tilespmem:s22+$0x10] =	vst v2;
	v2 =	vor.u32 s31, v0  }
0x38: {  	s23 =	sadd.s32 $0x42001, s19;
	[tilespmem:s22+$0x20] =	vst v2;
	v2 =	vor.u32 s21, v0  }
0x39: {  	s24 =	sadd.s32 $0x42801, s19;
	[tilespmem:s22+$0x30] =	vst v2;
	v2 =	vor.u32 s23, v0  }
0x3a: {  	s25 =	sadd.s32 $0x43001, s19;
	[tilespmem:s22+$0x40] =	vst v2;
	v2 =	vor.u32 s24, v0  }
0x3b: {  	s26 =	sadd.s32 $0x43801, s19;
	[tilespmem:s22+$0x50] =	vst v2;
	v2 =	vor.u32 s25, v0  }
0x3c: {  	s31 =	sadd.s32 $0x44001, s19;
	[tilespmem:s22+$0x60] =	vst v2;
	v2 =	vor.u32 s26, v0  }
0x3d: {  	s21 =	sadd.s32 $0x44801, s19;
	[tilespmem:s22+$0x70] =	vst v2;
	v2 =	vor.u32 s31, v0  }
0x3e: {  	s23 =	sadd.s32 $0x45001, s19;
	[tilespmem:s22+$0x80] =	vst v2;
	v2 =	vor.u32 s21, v0  }
0x3f: {  	s24 =	sadd.s32 $0x45801, s19;
	[tilespmem:s22+$0x90] =	vst v2;
	v2 =	vor.u32 s23, v0  }
0x40: {  	s23 =	sadd.s32 $0x40001, s19;
	[tilespmem:s22+$0xA0] =	vst v2;
	v2 =	vor.u32 s24, v0  }
0x41: {  	s25 =	sadd.s32 $0x46001, s19;
	v3 =	vor.u32 s23, v0;
	[tilespmem:s22+$0xB0] =	vst v2  }
0x42: {  	s26 =	sadd.s32 $0x46801, s19;
	v2 =	vor.u32 s25, v0;
	[tilespmem:s22+$0x0] =	vst v3  }
0x43: {  	s31 =	sadd.s32 $0x47001, s19;
	[tilespmem:s22+$0xC0] =	vst v2;
	v2 =	vor.u32 s26, v0  }
0x44: {  	s21 =	sadd.s32 $0x47801, s19;
	[tilespmem:s22+$0xD0] =	vst v2;
	v2 =	vor.u32 s31, v0  }
0x45: {  	s20 =	simm.s32 $0x900;
	[tilespmem:s22+$0xE0] =	vst v2;
	v2 =	vor.u32 s21, v0;
	s21 =	sadd.s32 $0x8000, s17  }
0x46: {  	s19 =	simm.s32 $0x1800;
	[tilespmem:s22+$0xF0] =	vst v2;
	s24 =	sadd.s32 $0x40801, s21;
	s25 =	sadd.s32 $0x41001, s21  }
0x47: {  	v2 =	vor.u32 s24, v0;
	[tilespmem:s19], [sflag:$0x2] =	stream.indirect.gather [hbm4b:s2+s18], $0x1, s22, s18, $0xb8;
	[tilespmem:$0x2480] =	vst v63  }
0x48: {  	s26 =	sadd.s32 $0x41801, s21;
	[tilespmem:s20+$0x10] =	vst v2;
	v2 =	vor.u32 s25, v0  }
0x49: {  	s31 =	sadd.s32 $0x42001, s21;
	[tilespmem:s20+$0x20] =	vst v2;
	v2 =	vor.u32 s26, v0  }
0x4a: {  	s23 =	sadd.s32 $0x42801, s21;
	[tilespmem:s20+$0x30] =	vst v2;
	v2 =	vor.u32 s31, v0  }
0x4b: {  	s24 =	sadd.s32 $0x43001, s21;
	[tilespmem:s20+$0x40] =	vst v2;
	v2 =	vor.u32 s23, v0  }
0x4c: {  	s25 =	sadd.s32 $0x43801, s21;
	[tilespmem:s20+$0x50] =	vst v2;
	v2 =	vor.u32 s24, v0  }
0x4d: {  	s26 =	sadd.s32 $0x44001, s21;
	[tilespmem:s20+$0x60] =	vst v2;
	v2 =	vor.u32 s25, v0  }
0x4e: {  	s31 =	sadd.s32 $0x44801, s21;
	[tilespmem:s20+$0x70] =	vst v2;
	v2 =	vor.u32 s26, v0  }
0x4f: {  	s23 =	sadd.s32 $0x45001, s21;
	[tilespmem:s20+$0x80] =	vst v2;
	v2 =	vor.u32 s31, v0  }
0x50: {  	s24 =	sadd.s32 $0x45801, s21;
	[tilespmem:s20+$0x90] =	vst v2;
	v2 =	vor.u32 s23, v0  }
0x51: {  	s25 =	sadd.s32 $0x46001, s21;
	[tilespmem:s20+$0xA0] =	vst v2;
	v2 =	vor.u32 s24, v0  }
0x52: {  	s26 =	sadd.s32 $0x46801, s21;
	[tilespmem:s20+$0xB0] =	vst v2;
	v2 =	vor.u32 s25, v0  }
0x53: {  	s31 =	sadd.s32 $0x47001, s21;
	[tilespmem:s20+$0xC0] =	vst v2;
	v2 =	vor.u32 s26, v0  }
0x54: {  	s22 =	simm.s32 $0xA00;
	s23 =	simm.s32 $0x10000;
	s24 =	sadd.s32 $0x47801, s21;
	[tilespmem:s20+$0xD0] =	vst v2;
	v2 =	vor.u32 s31, v0  }
.LBB2_4:
0x55: {  	p0 =	sne.s32 s23, $0x38000;
	s25 =	sadd.s32 $0x40001, s21;
	s21 =	sadd.s32 s23, s17;
	[tilespmem:s20+$0xE0] =	vst v2;
	v2 =	vor.u32 s24, v0  }
0x56: {  	s19 =	sadd.s32 $0x100, s19;
	s24 =	sadd.s32 $0x40801, s21;
	s26 =	sadd.s32 $0x41001, s21;
	v3 =	vor.u32 s25, v0;
	[tilespmem:s20+$0xF0] =	vst v2  }
0x57: {  	v2 =	vor.u32 s24, v0;
	[tilespmem:s20+$0x0] =	vst v3;
	[tilespmem:s19], [sflag:$0x2] =	stream.indirect.gather [hbm4b:s2+s18], $0x1, s20, s18, $0xb8  }
0x58: {  	s24 =	sadd.s32 $0x41801, s21;
	s20 =	smov.u32 s22;
	[tilespmem:s22+$0x10] =	vst v2;
	v2 =	vor.u32 s26, v0  }
0x59: {  	[tilespmem:s22+$0x20] =	vst v2;
	v2 =	vor.u32 s24, v0;
	s24 =	sadd.s32 $0x42001, s21  }
0x5a: {  	[tilespmem:s22+$0x30] =	vst v2;
	v2 =	vor.u32 s24, v0;
	s24 =	sadd.s32 $0x42801, s21  }
0x5b: {  	[tilespmem:s22+$0x40] =	vst v2;
	v2 =	vor.u32 s24, v0;
	s24 =	sadd.s32 $0x43001, s21  }
0x5c: {  	[tilespmem:s22+$0x50] =	vst v2;
	v2 =	vor.u32 s24, v0;
	s24 =	sadd.s32 $0x43801, s21  }
0x5d: {  	[tilespmem:s22+$0x60] =	vst v2;
	v2 =	vor.u32 s24, v0;
	s24 =	sadd.s32 $0x44001, s21  }
0x5e: {  	[tilespmem:s22+$0x70] =	vst v2;
	v2 =	vor.u32 s24, v0;
	s24 =	sadd.s32 $0x44801, s21  }
0x5f: {  	[tilespmem:s22+$0x80] =	vst v2;
	v2 =	vor.u32 s24, v0;
	s24 =	sadd.s32 $0x45001, s21  }
.Ltmp1:
0x60: {  	[tilespmem:s22+$0x90] =	vst v2;
	v2 =	vor.u32 s24, v0;
	s24 =	sadd.s32 $0x45801, s21;
	(pc) =	sbr.rel @p0 .LBB2_4-.Ltmp1, $4  }
0x61: {  	[tilespmem:s22+$0xA0] =	vst v2;
	v2 =	vor.u32 s24, v0;
	s24 =	sadd.s32 $0x46001, s21  }
0x62: {  	[tilespmem:s22+$0xB0] =	vst v2;
	v2 =	vor.u32 s24, v0;
	s24 =	sadd.s32 $0x46801, s21  }
0x63: {  	[tilespmem:s22+$0xC0] =	vst v2;
	v2 =	vor.u32 s24, v0;
	s24 =	sadd.s32 $0x47001, s21  }
0x64: {  	s23 =	sadd.s32 $0x8000, s23;
	s22 =	sadd.s32 $0x100, s22;
	[tilespmem:s20+$0xD0] =	vst v2;
	v2 =	vor.u32 s24, v0;
	s24 =	sadd.s32 $0x47801, s21  }
0x65: {  	s21 =	sadd.s32 $0x40001, s21;
	[tilespmem:s20+$0xE0] =	vst v2;
	v2 =	vor.u32 s24, v0  }
0x66: {  	v3 =	vor.u32 s21, v0;
	[tilespmem:s20+$0xF0] =	vst v2  }
0x67: {  	s19 =	sadd.s32 $0x100, s19;
	[tilespmem:s20+$0x0] =	vst v3  }
0x68: {  	[tilespmem:s19], [sflag:$0x2] =	stream.indirect.gather [hbm4b:s2+s18], $0x1, s20, s18, $0xb8;
	[tilespmem:$0x2480] =	vst v63  }
0x69: {  	s26 =	simm.s32 $0x2000;
	s19 =	simm.s32 $0x0  }
0x6a: {  	[tilespmem:s26], [sflag:$0x3] =	stream.linear.gather [hbm4b:s6+s19], $0x80, $0x38;
	[tilespmem:$0x2480] =	vst v63  }
0x6b: {  	s31 =	simm.s32 $0x2080  }
0x6c: {  	[tilespmem:s31], [sflag:$0x3] =	stream.linear.gather [hbm4b:s7+s19], $0x80, $0x38;
	[tilespmem:$0x2480] =	vst v63  }
0x6d: {  	s21 =	simm.s32 $0x2100  }
0x6e: {  	[tilespmem:s21], [sflag:$0x3] =	stream.linear.gather [hbm4b:s8+s19], $0x80, $0x38;
	[tilespmem:$0x2480] =	vst v63  }
0x6f: {  	s22 =	simm.s32 $0x2180  }
0x70: {  	[tilespmem:s22], [sflag:$0x3] =	stream.linear.gather [hbm4b:s9+s19], $0x80, $0x38;
	[tilespmem:$0x2480] =	vst v63  }
0x71: {  	s23 =	simm.s32 $0x2200  }
0x72: {  	[tilespmem:s23], [sflag:$0x3] =	stream.linear.gather [hbm4b:s11+s19], $0x80, $0x38;
	[tilespmem:$0x2480] =	vst v63  }
0x73: {  	s24 =	simm.s32 $0x2280  }
0x74: {  	[tilespmem:s24], [sflag:$0x3] =	stream.linear.gather [hbm4b:s12+s19], $0x80, $0x38;
	[tilespmem:$0x2480] =	vst v63  }
0x75: {  	s25 =	simm.s32 $0x2300  }
0x76: {  	[tilespmem:s25], [sflag:$0x3] =	stream.linear.gather [hbm4b:s13+s19], $0x80, $0x38;
	[tilespmem:$0x2480] =	vst v63  }
0x77: {  	s26 =	simm.s32 $0x2380  }
0x78: {  	[tilespmem:s26], [sflag:$0x3] =	stream.linear.gather [hbm4b:s14+s19], $0x80, $0x38;
	[tilespmem:$0x2480] =	vst v63  }
0x79: {  	_ =	swait.ge [sflag:s28], $0x800  }
0x7a: {  	[sflag:s28] =	ssyncset.done $0x0  }
0x7b: {  	s31 =	simm.s32 $0x0;
	[sflag:s28] =	ssyncadd.s32 $0xFFFFF800  }
0x7c: {  	v2 =	vld [tilespmem:s31+$0x1070]  }
0x7d: {  	v3 =	vld [tilespmem:s31+$0x1060]  }
0x7e: {  	v4 =	vld [tilespmem:s31+$0x1050]  }
0x7f: {  	v5 =	vld [tilespmem:s31+$0x1040]  }
0x80: {  	v6 =	vld [tilespmem:s31+$0x1030]  }
0x81: {  	v7 =	vld [tilespmem:s31+$0x1020]  }
0x82: {  	v8 =	vld [tilespmem:s31+$0x1000]  }
0x83: {  	v9 =	vimm.s32 $0x0;
	v10 =	vld [tilespmem:s31+$0x1010];
	vm2 =	vlt.f32 v2, $0.0e+00  }
0x84: {  	vm4 =	vlt.f32 v3, $0.0e+00;
	vm5 =	vgt.f32 v3, $0.0e+00;
	vm3 =	vgt.f32 v2, $0.0e+00  }
0x85: {  	vm6 =	vlt.f32 v5, $0.0e+00;
	vm7 =	vlt.f32 v4, $0.0e+00;
	vm8 =	vgt.f32 v4, $0.0e+00  }
0x86: {  	vm9 =	vlt.f32 v6, $0.0e+00;
	vm10 =	vgt.f32 v6, $0.0e+00;
	vm11 =	vgt.f32 v5, $0.0e+00  }
0x87: {  	vm12 =	vlt.f32 v8, $0.0e+00;
	vm13 =	vgt.f32 v8, $0.0e+00;
	vm14 =	vlt.f32 v7, $0.0e+00  }
0x88: {  	vm15 =	vgt.f32 v10, $0.0e+00;
	vm12 =	vmor vm13, vm12;
	vm13 =	vlt.f32 v10, $0.0e+00  }
0x89: {  	s19 =	simm.s32 $0x80;
	v3 =	vsel vm12, $0x1, v1;
	vm12 =	vmor vm15, vm13;
	vm13 =	vgt.f32 v7, $0.0e+00  }
0x8a: {  	v2 =	vld [tilespmem:s19+$0x1070];
	v3 =	vadd.s32 v3, v9;
	v5 =	vsel vm12, $0x1, v1;
	vm12 =	vmor vm13, vm14  }
0x8b: {  	v4 =	vld [tilespmem:s19+$0x1060];
	vm9 =	vmor vm10, vm9;
	v3 =	vadd.s32 v5, v3;
	v6 =	vsel vm12, $0x1, v1  }
0x8c: {  	vm6 =	vmor vm11, vm6;
	v7 =	vsel vm9, $0x1, v1;
	v5 =	vld [tilespmem:s19+$0x1050];
	v3 =	vadd.s32 v6, v3  }
0x8d: {  	v8 =	vsel vm6, $0x1, v1;
	vm15 =	vmor vm8, vm7;
	v6 =	vld [tilespmem:s19+$0x1040];
	v3 =	vadd.s32 v7, v3  }
0x8e: {  	vm4 =	vmor vm5, vm4;
	v9 =	vsel vm15, $0x1, v1;
	v7 =	vld [tilespmem:s19+$0x1030];
	v8 =	vadd.s32 v8, v3  }
0x8f: {  	s20 =	simm.s32 $0x400;
	vm2 =	vmor vm3, vm2;
	v3 =	vld [tilespmem:s19+$0x1020];
	v8 =	vadd.s32 v9, v8;
	v9 =	vsel vm4, $0x1, v1  }
.LBB2_6:
0x90: {  	p0 =	sne.s32 s20, $0x1E00;
	v10 =	vld [tilespmem:s19+$0x1000];
	v8 =	vadd.s32 v9, v8;
	v9 =	vsel vm2, $0x1, v1  }
0x91: {  	vm2 =	vlt.f32 v2, $0.0e+00;
	v11 =	vld [tilespmem:s19+$0x1010];
	v8 =	vadd.s32 v9, v8  }
0x92: {  	vm4 =	vlt.f32 v4, $0.0e+00;
	vm5 =	vgt.f32 v4, $0.0e+00;
	vm3 =	vgt.f32 v2, $0.0e+00  }
0x93: {  	vm6 =	vlt.f32 v5, $0.0e+00;
	vm7 =	vgt.f32 v5, $0.0e+00;
	vm8 =	vlt.f32 v6, $0.0e+00  }
0x94: {  	vm11 =	vgt.f32 v6, $0.0e+00;
	vm9 =	vlt.f32 v7, $0.0e+00;
	vm10 =	vgt.f32 v7, $0.0e+00  }
0x95: {  	vm14 =	vlt.f32 v3, $0.0e+00;
	vm12 =	vlt.f32 v10, $0.0e+00;
	vm13 =	vgt.f32 v10, $0.0e+00  }
0x96: {  	vm12 =	vmor vm13, vm12;
	vm13 =	vlt.f32 v11, $0.0e+00;
	vm15 =	vgt.f32 v11, $0.0e+00  }
0x97: {  	s19 =	sshra.s32 s20, $0x2;
	v4 =	vsel vm12, $0x1, v1;
	vm12 =	vmor vm15, vm13;
	vm13 =	vgt.f32 v3, $0.0e+00  }
0x98: {  	v2 =	vld [tilespmem:s19+$0x1070];
	v3 =	vadd.s32 v4, v8;
	v5 =	vsel vm12, $0x1, v1;
	vm12 =	vmor vm13, vm14  }
.Ltmp2:
0x99: {  	vm9 =	vmor vm10, vm9;
	v4 =	vld [tilespmem:s19+$0x1060];
	v3 =	vadd.s32 v5, v3;
	v6 =	vsel vm12, $0x1, v1;
	(pc) =	sbr.rel @p0 .LBB2_6-.Ltmp2, $4  }
0x9a: {  	vm8 =	vmor vm11, vm8;
	v7 =	vsel vm9, $0x1, v1;
	v5 =	vld [tilespmem:s19+$0x1050];
	v3 =	vadd.s32 v6, v3  }
0x9b: {  	vm6 =	vmor vm7, vm6;
	v8 =	vsel vm8, $0x1, v1;
	v6 =	vld [tilespmem:s19+$0x1040];
	v3 =	vadd.s32 v7, v3  }
0x9c: {  	vm4 =	vmor vm5, vm4;
	v9 =	vsel vm6, $0x1, v1;
	v7 =	vld [tilespmem:s19+$0x1030];
	v8 =	vadd.s32 v8, v3  }
0x9d: {  	s20 =	sadd.s32 $0x200, s20;
	vm2 =	vmor vm3, vm2;
	v3 =	vld [tilespmem:s19+$0x1020];
	v8 =	vadd.s32 v9, v8;
	v9 =	vsel vm4, $0x1, v1  }
0x9e: {  	v10 =	vld [tilespmem:s19+$0x1000];
	v8 =	vadd.s32 v9, v8  }
0x9f: {  	v9 =	vsel vm2, $0x1, v1;
	v11 =	vld [tilespmem:s19+$0x1010];
	vm2 =	vlt.f32 v2, $0.0e+00;
	vm4 =	vlt.f32 v4, $0.0e+00  }
0xa0: {  	vm5 =	vgt.f32 v4, $0.0e+00;
	vm3 =	vgt.f32 v2, $0.0e+00;
	v8 =	vadd.s32 v9, v8  }
0xa1: {  	vm7 =	vlt.f32 v5, $0.0e+00;
	vm8 =	vgt.f32 v5, $0.0e+00;
	vm6 =	vlt.f32 v6, $0.0e+00  }
0xa2: {  	vm11 =	vgt.f32 v6, $0.0e+00;
	vm9 =	vlt.f32 v7, $0.0e+00;
	vm10 =	vgt.f32 v7, $0.0e+00  }
0xa3: {  	_ =	swait.ge [sflag:s29], $0x800;
	vm14 =	vlt.f32 v3, $0.0e+00;
	vm12 =	vlt.f32 v10, $0.0e+00;
	vm13 =	vgt.f32 v10, $0.0e+00  }
0xa4: {  	[sflag:s29] =	ssyncset.done $0x0;
	vm15 =	vgt.f32 v11, $0.0e+00;
	vm12 =	vmor vm13, vm12;
	vm13 =	vlt.f32 v11, $0.0e+00  }
0xa5: {  	s31 =	simm.s32 $0x0;
	[sflag:s29] =	ssyncadd.s32 $0xFFFFF800;
	v2 =	vsel vm12, $0x1, v1;
	vm12 =	vmor vm15, vm13;
	vm13 =	vgt.f32 v3, $0.0e+00  }
0xa6: {  	v4 =	vld [tilespmem:s31+$0x1870];
	v2 =	vadd.s32 v2, v8;
	v3 =	vsel vm12, $0x1, v1;
	vm12 =	vmor vm13, vm14  }
0xa7: {  	v5 =	vld [tilespmem:s31+$0x1860];
	vm9 =	vmor vm10, vm9;
	v2 =	vadd.s32 v3, v2;
	v3 =	vsel vm12, $0x1, v1  }
0xa8: {  	vm6 =	vmor vm11, vm6;
	v6 =	vld [tilespmem:s31+$0x1850];
	v2 =	vadd.s32 v3, v2;
	v3 =	vsel vm9, $0x1, v1  }
0xa9: {  	v7 =	vld [tilespmem:s31+$0x1840];
	vm14 =	vmor vm8, vm7;
	v2 =	vadd.s32 v3, v2;
	v3 =	vsel vm6, $0x1, v1  }
0xaa: {  	vm4 =	vmor vm5, vm4;
	v10 =	vld [tilespmem:s31+$0x1800];
	v2 =	vadd.s32 v3, v2;
	v3 =	vsel vm14, $0x1, v1  }
0xab: {  	vm2 =	vmor vm3, vm2;
	v9 =	vld [tilespmem:s31+$0x1820];
	v2 =	vadd.s32 v3, v2;
	v3 =	vsel vm4, $0x1, v1  }
0xac: {  	v8 =	vld [tilespmem:s31+$0x1830];
	v2 =	vadd.s32 v3, v2;
	v3 =	vsel vm2, $0x1, v1  }
0xad: {  	v11 =	vimm.s32 $0x0;
	vm5 =	vgt.f32 v5, $0.0e+00;
	v2 =	vadd.s32 v3, v2;
	v3 =	vld [tilespmem:s31+$0x1810]  }
0xae: {  	vm3 =	vgt.f32 v4, $0.0e+00;
	vm7 =	vlt.f32 v6, $0.0e+00;
	vm8 =	vgt.f32 v6, $0.0e+00  }
0xaf: {  	vm11 =	vgt.f32 v7, $0.0e+00;
	vm12 =	vlt.f32 v10, $0.0e+00;
	vm13 =	vgt.f32 v10, $0.0e+00  }
0xb0: {  	vm6 =	vlt.f32 v7, $0.0e+00;
	vm12 =	vmor vm13, vm12;
	vm14 =	vlt.f32 v9, $0.0e+00  }
0xb1: {  	vm4 =	vlt.f32 v5, $0.0e+00;
	vm9 =	vlt.f32 v8, $0.0e+00;
	vm10 =	vgt.f32 v8, $0.0e+00  }
0xb2: {  	vm2 =	vlt.f32 v4, $0.0e+00;
	vm13 =	vlt.f32 v3, $0.0e+00;
	vm15 =	vgt.f32 v3, $0.0e+00  }
0xb3: {  	s19 =	simm.s32 $0x80;
	v4 =	vsel vm12, $0x1, v1;
	vm12 =	vmor vm15, vm13;
	vm13 =	vgt.f32 v9, $0.0e+00  }
0xb4: {  	v5 =	vld [tilespmem:s19+$0x1860];
	v4 =	vadd.s32 v4, v11;
	v6 =	vsel vm12, $0x1, v1;
	vm12 =	vmor vm13, vm14  }
0xb5: {  	vm9 =	vmor vm10, vm9;
	v3 =	vld [tilespmem:s19+$0x1870];
	v4 =	vadd.s32 v6, v4;
	v7 =	vsel vm12, $0x1, v1  }
0xb6: {  	vm6 =	vmor vm11, vm6;
	v8 =	vsel vm9, $0x1, v1;
	v6 =	vld [tilespmem:s19+$0x1850];
	v4 =	vadd.s32 v7, v4  }
0xb7: {  	v9 =	vsel vm6, $0x1, v1;
	vm15 =	vmor vm8, vm7;
	v7 =	vld [tilespmem:s19+$0x1840];
	v4 =	vadd.s32 v8, v4  }
0xb8: {  	vm4 =	vmor vm5, vm4;
	v10 =	vsel vm15, $0x1, v1;
	v8 =	vld [tilespmem:s19+$0x1830];
	v9 =	vadd.s32 v9, v4  }
0xb9: {  	s20 =	simm.s32 $0x400;
	vm2 =	vmor vm3, vm2;
	v4 =	vld [tilespmem:s19+$0x1820];
	v9 =	vadd.s32 v10, v9;
	v10 =	vsel vm4, $0x1, v1  }
.LBB2_8:
0xba: {  	p0 =	sne.s32 s20, $0x1E00;
	v11 =	vld [tilespmem:s19+$0x1800];
	v9 =	vadd.s32 v10, v9;
	v10 =	vsel vm2, $0x1, v1  }
0xbb: {  	vm2 =	vlt.f32 v3, $0.0e+00;
	v12 =	vld [tilespmem:s19+$0x1810];
	v9 =	vadd.s32 v10, v9  }
0xbc: {  	vm4 =	vlt.f32 v5, $0.0e+00;
	vm5 =	vgt.f32 v5, $0.0e+00;
	vm3 =	vgt.f32 v3, $0.0e+00  }
0xbd: {  	vm6 =	vlt.f32 v6, $0.0e+00;
	vm7 =	vgt.f32 v6, $0.0e+00;
	vm8 =	vlt.f32 v7, $0.0e+00  }
0xbe: {  	vm11 =	vgt.f32 v7, $0.0e+00;
	vm9 =	vlt.f32 v8, $0.0e+00;
	vm10 =	vgt.f32 v8, $0.0e+00  }
0xbf: {  	vm14 =	vlt.f32 v4, $0.0e+00;
	vm12 =	vlt.f32 v11, $0.0e+00;
	vm13 =	vgt.f32 v11, $0.0e+00  }
0xc0: {  	vm12 =	vmor vm13, vm12;
	vm13 =	vlt.f32 v12, $0.0e+00;
	vm15 =	vgt.f32 v12, $0.0e+00  }
0xc1: {  	s19 =	sshra.s32 s20, $0x2;
	v5 =	vsel vm12, $0x1, v1;
	vm12 =	vmor vm15, vm13;
	vm13 =	vgt.f32 v4, $0.0e+00  }
0xc2: {  	v3 =	vld [tilespmem:s19+$0x1870];
	v4 =	vadd.s32 v5, v9;
	v6 =	vsel vm12, $0x1, v1;
	vm12 =	vmor vm13, vm14  }
.Ltmp3:
0xc3: {  	vm9 =	vmor vm10, vm9;
	v5 =	vld [tilespmem:s19+$0x1860];
	v4 =	vadd.s32 v6, v4;
	v7 =	vsel vm12, $0x1, v1;
	(pc) =	sbr.rel @p0 .LBB2_8-.Ltmp3, $4  }
0xc4: {  	vm8 =	vmor vm11, vm8;
	v8 =	vsel vm9, $0x1, v1;
	v6 =	vld [tilespmem:s19+$0x1850];
	v4 =	vadd.s32 v7, v4  }
0xc5: {  	vm6 =	vmor vm7, vm6;
	v9 =	vsel vm8, $0x1, v1;
	v7 =	vld [tilespmem:s19+$0x1840];
	v4 =	vadd.s32 v8, v4  }
0xc6: {  	vm4 =	vmor vm5, vm4;
	v10 =	vsel vm6, $0x1, v1;
	v8 =	vld [tilespmem:s19+$0x1830];
	v9 =	vadd.s32 v9, v4  }
0xc7: {  	s20 =	sadd.s32 $0x200, s20;
	vm2 =	vmor vm3, vm2;
	v4 =	vld [tilespmem:s19+$0x1820];
	v9 =	vadd.s32 v10, v9;
	v10 =	vsel vm4, $0x1, v1  }
0xc8: {  	v11 =	vld [tilespmem:s19+$0x1800];
	v9 =	vadd.s32 v10, v9  }
0xc9: {  	v34 =	vsel vm2, $0x1, v1;
	v12 =	vld [tilespmem:s19+$0x1810];
	vm2 =	vlt.f32 v3, $0.0e+00;
	vm4 =	vlt.f32 v5, $0.0e+00  }
0xca: {  	vm5 =	vgt.f32 v5, $0.0e+00;
	vm3 =	vgt.f32 v3, $0.0e+00;
	v9 =	vadd.s32 v34, v9  }
0xcb: {  	vm7 =	vlt.f32 v6, $0.0e+00;
	vm8 =	vgt.f32 v6, $0.0e+00;
	vm6 =	vlt.f32 v7, $0.0e+00  }
0xcc: {  	vm11 =	vgt.f32 v7, $0.0e+00;
	vm9 =	vlt.f32 v8, $0.0e+00;
	vm10 =	vgt.f32 v8, $0.0e+00  }
0xcd: {  	vm14 =	vlt.f32 v4, $0.0e+00;
	vm12 =	vlt.f32 v11, $0.0e+00;
	vm13 =	vgt.f32 v11, $0.0e+00  }
0xce: {  	vm15 =	vgt.f32 v12, $0.0e+00;
	vm12 =	vmor vm13, vm12;
	vm13 =	vlt.f32 v12, $0.0e+00  }
0xcf: {  	v3 =	vsel vm12, $0x1, v1;
	vm12 =	vmor vm15, vm13;
	vm13 =	vgt.f32 v4, $0.0e+00  }
0xd0: {  	v3 =	vadd.s32 v3, v9;
	v35 =	vsel vm12, $0x1, v1;
	vm12 =	vmor vm13, vm14  }
0xd1: {  	vm9 =	vmor vm10, vm9;
	v3 =	vadd.s32 v35, v3;
	v36 =	vsel vm12, $0x1, v1  }
0xd2: {  	vm6 =	vmor vm11, vm6;
	v37 =	vsel vm9, $0x1, v1;
	v3 =	vadd.s32 v36, v3  }
0xd3: {  	v38 =	vsel vm6, $0x1, v1;
	vm15 =	vmor vm8, vm7;
	v3 =	vadd.s32 v37, v3  }
0xd4: {  	vm4 =	vmor vm5, vm4;
	v39 =	vsel vm15, $0x1, v1;
	v3 =	vadd.s32 v38, v3  }
0xd5: {  	vm2 =	vmor vm3, vm2;
	v40 =	vsel vm4, $0x1, v1;
	v3 =	vadd.s32 v39, v3  }
0xd6: {  	v41 =	vsel vm2, $0x1, v1;
	v3 =	vadd.s32 v40, v3  }
0xd7: {  	(xrf0) =	vadd.scan.msk.s32 $0xffff, v2;
	v3 =	vadd.s32 v41, v3  }
0xd8: {  	(xrf0) =	vadd.scan.msk.s32 $0xffff, v3;
	_ =	sdelay $0x4  }
0xd9: {  	v2, _, _ =	vpop (xrf0)  }
0xda: {  	(v2sf) =	vpush v2, $0xF;
	v2, _, _ =	vpop (xrf0)  }
0xdb: {  	(v2sf) =	vpush v2, $0xF;
	_ =	sdelay $0xd  }
0xdc: {  	s19 =	spop (v2sf)  }
0xdd: {  	s21 =	spop (v2sf)  }
0xde: {  	_ =	swait.ge [sflag:s30], $0x80  }
0xdf: {  	[sflag:s30] =	ssyncset.done $0x0  }
0xe0: {  	[sflag:s30] =	ssyncadd.s32 $0xFFFFFF80  }
0xe1: {  	_ =	swait.ge [sflag:s30], $0x80  }
0xe2: {  	[sflag:s30] =	ssyncset.done $0x0  }
0xe3: {  	[sflag:s30] =	ssyncadd.s32 $0xFFFFFF80  }
0xe4: {  	_ =	swait.ge [sflag:s30], $0x80  }
0xe5: {  	[sflag:s30] =	ssyncset.done $0x0  }
0xe6: {  	[sflag:s30] =	ssyncadd.s32 $0xFFFFFF80  }
0xe7: {  	_ =	swait.ge [sflag:s30], $0x80  }
0xe8: {  	[sflag:s30] =	ssyncset.done $0x0  }
0xe9: {  	[sflag:s30] =	ssyncadd.s32 $0xFFFFFF80  }
0xea: {  	_ =	swait.ge [sflag:s30], $0x80  }
0xeb: {  	[sflag:s30] =	ssyncset.done $0x0  }
0xec: {  	[sflag:s30] =	ssyncadd.s32 $0xFFFFFF80  }
0xed: {  	_ =	swait.ge [sflag:s30], $0x80  }
0xee: {  	[sflag:s30] =	ssyncset.done $0x0  }
0xef: {  	p0 =	seq.s32 s19, $0x0;
	s22 =	sadd.s32 $0xFFFFFFFF, s19;
	[sflag:s30] =	ssyncadd.s32 $0xFFFFFF80  }
0xf0: {  	s22 =	simm.s32 @p0 $0x7FF;
	_ =	swait.ge [sflag:s30], $0x80  }
0xf1: {  	p2 =	seq.s32 s22, $0x7FF;
	[sflag:s30] =	ssyncset.done $0x0  }
0xf2: {  	s20 =	sadd.s32 @!p2 s5, s22;
	[sflag:s30] =	ssyncadd.s32 $0xFFFFFF80  }
0xf3: {  	s23 =	sadd.s32 @!p2 $0xFFFFFFFF, s22;
	s20 =	sshll.u32 @!p2 s20, $0x4;
	_ =	swait.ge [sflag:s30], $0x80  }
0xf4: {  	s25 =	simm.s32 @!p2 $0x0;
	s20 =	sand.u32 @!p2 $0x1FFFFFF0, s20;
	[sflag:s30] =	ssyncset.done $0x0  }
0xf5: {  	s26 =	simm.s32 @!p2 $0x2000;
	s24 =	sadd.s32 @!p2 s1, s20;
	[sflag:s30] =	ssyncadd.s32 $0xFFFFFF80  }
0xf6: {  	[tilespmem:s26], [sflag:$0x4] =	stream.linear.gather @!p2 [hbm4b:s24+s25], $0x80, $0x38;
	[tilespmem:$0x2480] =	vst v63  }
0xf7: {  	p1 =	sgt.s32 @!p2 s23, $0x0;
	s24 =	simm.s32 @!p2 $0x4  }
0xf8: {  	p1 =	por !p1, p2;
	_ =	swait.ge @!p2 [sflag:s24], $0x80  }
0xf9: {  	s23 =	simm.s32 @p1 $0x0;
	s20 =	sadd.s32 @!p2 s2, s20;
	[sflag:s24] =	ssyncset.done @!p2 $0x0  }
0xfa: {  	s23 =	sadd.s32 @!p2 s5, s23;
	s26 =	simm.s32 @!p2 $0x2080;
	[sflag:s24] =	ssyncadd.s32 @!p2 $0xFFFFFF80  }
0xfb: {  	[tilespmem:s26], [sflag:$0x4] =	stream.linear.gather @!p2 [hbm4b:s20+s25], $0x80, $0x38;
	[tilespmem:$0x2480] =	vst v63  }
0xfc: {  	s20 =	sshll.u32 @!p2 s23, $0x4;
	_ =	swait.ge @!p2 [sflag:s24], $0x80  }
0xfd: {  	s23 =	sand.u32 @!p2 $0x1FFFFFF0, s20;
	[sflag:s24] =	ssyncset.done @!p2 $0x0  }
0xfe: {  	s26 =	simm.s32 @!p2 $0x2100;
	s20 =	sadd.s32 @!p2 s1, s23;
	[sflag:s24] =	ssyncadd.s32 @!p2 $0xFFFFFF80  }
0xff: {  	[tilespmem:s26], [sflag:$0x4] =	stream.linear.gather @!p2 [hbm4b:s20+s25], $0x80, $0x38;
	[tilespmem:$0x2480] =	vst v63  }
0x100: {  	p1 =	seq.s32 s21, $0x0;
	s20 =	sadd.s32 $0xFFFFFFFF, s21;
	_ =	swait.ge @!p2 [sflag:s24], $0x80  }
0x101: {  	s23 =	sadd.s32 @!p2 s2, s23;
	s20 =	simm.s32 @p1 $0x7FF;
	[sflag:s24] =	ssyncset.done @!p2 $0x0  }
0x102: {  	s26 =	simm.s32 @!p2 $0x2180;
	p3 =	seq.s32 s20, $0x7FF;
	[sflag:s24] =	ssyncadd.s32 @!p2 $0xFFFFFF80  }
0x103: {  	[tilespmem:s26], [sflag:$0x4] =	stream.linear.gather @!p2 [hbm4b:s23+s25], $0x80, $0x38;
	[tilespmem:$0x2480] =	vst v63  }
0x104: {  	s23 =	sadd.s32 @!p3 s10, s20  }
0x105: {  	s31 =	simm.s32 @!p3 $0x2200;
	_ =	swait.ge @!p2 [sflag:s24], $0x80;
	s23 =	sshll.u32 @!p3 s23, $0x4  }
0x106: {  	s25 =	sadd.s32 @!p3 $0xFFFFFFFF, s20;
	[sflag:s24] =	ssyncset.done @!p2 $0x0;
	s23 =	sand.u32 @!p3 $0x1FFFFFF0, s23  }
0x107: {  	s26 =	simm.s32 @!p3 $0x0;
	[sflag:s24] =	ssyncadd.s32 @!p2 $0xFFFFFF80;
	s24 =	sadd.s32 @!p3 s1, s23  }
0x108: {  	[tilespmem:s31], [sflag:$0x4] =	stream.linear.gather @!p3 [hbm4b:s24+s26], $0x80, $0x38;
	[tilespmem:$0x2480] =	vst v63  }
0x109: {  	p2 =	sgt.s32 @!p3 s25, $0x0;
	s24 =	simm.s32 @!p3 $0x4  }
0x10a: {  	p2 =	por !p2, p3;
	_ =	swait.ge @!p3 [sflag:s24], $0x80  }
0x10b: {  	s23 =	sadd.s32 @!p3 s2, s23;
	s25 =	simm.s32 @p2 $0x0;
	[sflag:s24] =	ssyncset.done @!p3 $0x0  }
0x10c: {  	s31 =	simm.s32 @!p3 $0x2280;
	s25 =	sadd.s32 @!p3 s10, s25;
	[sflag:s24] =	ssyncadd.s32 @!p3 $0xFFFFFF80  }
0x10d: {  	[tilespmem:s31], [sflag:$0x4] =	stream.linear.gather @!p3 [hbm4b:s23+s26], $0x80, $0x38;
	[tilespmem:$0x2480] =	vst v63  }
0x10e: {  	s23 =	sshll.u32 @!p3 s25, $0x4;
	_ =	swait.ge @!p3 [sflag:s24], $0x80  }
0x10f: {  	s23 =	sand.u32 @!p3 $0x1FFFFFF0, s23;
	[sflag:s24] =	ssyncset.done @!p3 $0x0  }
0x110: {  	s31 =	simm.s32 @!p3 $0x2300;
	s25 =	sadd.s32 @!p3 s1, s23;
	[sflag:s24] =	ssyncadd.s32 @!p3 $0xFFFFFF80  }
0x111: {  	[tilespmem:s31], [sflag:$0x4] =	stream.linear.gather @!p3 [hbm4b:s25+s26], $0x80, $0x38;
	[tilespmem:$0x2480] =	vst v63  }
0x112: {  	_ =	swait.ge @!p3 [sflag:s24], $0x80  }
0x113: {  	[sflag:s24] =	ssyncset.done @!p3 $0x0  }
0x114: {  	s23 =	sadd.s32 @!p3 s2, s23;
	s25 =	simm.s32 @!p3 $0x2380;
	[sflag:s24] =	ssyncadd.s32 @!p3 $0xFFFFFF80  }
0x115: {  	[tilespmem:s25], [sflag:$0x4] =	stream.linear.gather @!p3 [hbm4b:s23+s26], $0x80, $0x38;
	[tilespmem:$0x2480] =	vst v63  }
0x116: {  	_ =	swait.ge @!p3 [sflag:s24], $0x80  }
0x117: {  	[sflag:s24] =	ssyncset.done @!p3 $0x0  }
0x118: {  	[sflag:s24] =	ssyncadd.s32 @!p3 $0xFFFFFF80  }
0x119: {  	v3 =	vld [tilespmem:$0x2000]  }
0x11a: {  	v42 =	vld [tilespmem:$0x2080]  }
0x11b: {  	v43 =	vld [tilespmem:$0x2100]  }
0x11c: {  	v44 =	vld [tilespmem:$0x2180]  }
0x11d: {  	v45 =	vld [tilespmem:$0x2010]  }
0x11e: {  	v46 =	vld [tilespmem:$0x2090]  }
0x11f: {  	v47 =	vld [tilespmem:$0x2110]  }
0x120: {  	v48 =	vld [tilespmem:$0x2190]  }
0x121: {  	v49 =	vld [tilespmem:$0x2020]  }
0x122: {  	v50 =	vld [tilespmem:$0x20A0]  }
0x123: {  	v13 =	vld [tilespmem:$0x2120]  }
0x124: {  	v14 =	vld [tilespmem:$0x21A0]  }
0x125: {  	v15 =	vld [tilespmem:$0x2030]  }
0x126: {  	v16 =	vld [tilespmem:$0x20B0]  }
0x127: {  	v17 =	vld [tilespmem:$0x2130]  }
0x128: {  	s19 =	scvt.s32.f32 s19;
	v18 =	vld [tilespmem:$0x21B0]  }
0x129: {  	v20 =	vld [tilespmem:$0x2040]  }
0x12a: {  	s19 =	smul.f32 $4.885197850e-04, s19;
	v21 =	vld [tilespmem:$0x20C0]  }
0x12b: {  	v23 =	vld [tilespmem:$0x2140]  }
0x12c: {  	v2 =	vmov s19;
	v24 =	vld [tilespmem:$0x21C0]  }
0x12d: {  	v19 =	vshra.s32 v2, $0x1;
	v2 =	vmul.f32 $5.000000000e-01, v2;
	v25 =	vld [tilespmem:$0x2050]  }
0x12e: {  	v19 =	vsub.s32 $0x5F3759DF, v19;
	v51 =	vld [tilespmem:$0x20D0]  }
0x12f: {  	v22 =	vmul.f32 v19, v2;
	v52 =	vld [tilespmem:$0x2150]  }
0x130: {  	v55 =	vld [tilespmem:$0x21D0]  }
0x131: {  	v22 =	vmul.f32 v19, v22;
	v57 =	vld [tilespmem:$0x2060]  }
0x132: {  	v60 =	vld [tilespmem:$0x20E0]  }
0x133: {  	v22 =	vsub.f32 $1.500000000e+00, v22;
	v63 =	vld [tilespmem:$0x2160]  }
0x134: {  	v28 =	vld [tilespmem:$0x21E0];
	v5 =	vsub.f32 v43, v44;
	v9 =	vsub.f32 v47, v48  }
0x135: {  	v56 =	vmul.f32 v19, v22;
	s21 =	scvt.s32.f32 s21;
	v30 =	vld [tilespmem:$0x2070];
	v3 =	vsub.f32 v3, v42;
	v54 =	vsub.f32 v45, v46  }
0x136: {  	v34 =	vld [tilespmem:$0x2170];
	v13 =	vsub.f32 v13, v14;
	v61 =	vsub.f32 v49, v50  }
0x137: {  	v38 =	vmul.f32 v56, v2;
	s21 =	smul.f32 $4.885197850e-04, s21;
	v37 =	vld [tilespmem:$0x21F0];
	v27 =	vsub.f32 v17, v18;
	v31 =	vsub.f32 v15, v16  }
0x138: {  	p2 =	sgt.s32 s22, $0x0;
	s22 =	simm.f32 $1.000000000e+00;
	v32 =	vld [tilespmem:$0x20F0];
	v33 =	vsub.f32 v23, v24;
	v36 =	vsub.f32 v20, v21  }
0x139: {  	s22 =	simm.s32 @!p2 $0x0;
	v40 =	vld [tilespmem:$0x2200];
	v21 =	vmul.f32 v38, v56;
	v6 =	vsub.f32 v25, v51;
	v45 =	vmov s21  }
0x13a: {  	v26 =	vld [tilespmem:$0x2290];
	v7 =	vsub.f32 v52, v55;
	v50 =	vsub.f32 v63, v28;
	v53 =	vmul.f32 s22, v5  }
0x13b: {  	v42 =	vld [tilespmem:$0x2280];
	v14 =	vsub.f32 v57, v60;
	v9 =	vmul.f32 s22, v9;
	v58 =	vmul.f32 v3, v3  }
0x13c: {  	v44 =	vld [tilespmem:$0x2300];
	v55 =	vsub.f32 v34, v37;
	v59 =	vmul.f32 v54, v54;
	v62 =	vmul.f32 s22, v13  }
0x13d: {  	v46 =	vld [tilespmem:$0x2380];
	v11 =	vsub.f32 v30, v32;
	v29 =	vmul.f32 v61, v61;
	v13 =	vmul.f32 s22, v27  }
0x13e: {  	v48 =	vld [tilespmem:$0x2210];
	v47 =	vshra.s32 v45, $0x1;
	v35 =	vmul.f32 v31, v31;
	v39 =	vmul.f32 s22, v33  }
0x13f: {  	v52 =	vld [tilespmem:$0x2310];
	v41 =	vmul.f32 v36, v36;
	v49 =	vmul.f32 v6, v6;
	v24 =	vsub.s32 $0x5F3759DF, v47  }
0x140: {  	v63 =	vld [tilespmem:$0x22B0];
	v21 =	vsub.f32 $1.500000000e+00, v21;
	v7 =	vmul.f32 s22, v7;
	v3 =	vsub.f32 v3, v53  }
0x141: {  	v30 =	vld [tilespmem:$0x23B0];
	v57 =	vmul.f32 v14, v14;
	v5 =	vsub.f32 v54, v9;
	v4 =	vadd.f32 v59, v58  }
0x142: {  	v9 =	vsub.f32 v61, v62;
	v43 =	vsub.f32 v36, v39;
	v53 =	vld [tilespmem:$0x2390];
	v8 =	vmul.f32 v21, v56  }
0x143: {  	v54 =	vld [tilespmem:$0x2220];
	v6 =	vsub.f32 v6, v7;
	v7 =	vmul.f32 s22, v55;
	v62 =	vmul.f32 v11, v11  }
0x144: {  	v56 =	vld [tilespmem:$0x22A0];
	v16 =	vsub.f32 v40, v42;
	v32 =	vsub.f32 v48, v26;
	v3 =	vand.u32 $0x7FFFFFFF, v3  }
0x145: {  	v61 =	vld [tilespmem:$0x2230];
	v5 =	vand.u32 $0x7FFFFFFF, v5;
	v4 =	vadd.f32 v29, v4;
	v9 =	vand.u32 $0x7FFFFFFF, v9  }
0x146: {  	v37 =	vld [tilespmem:$0x22D0];
	v6 =	vand.u32 $0x7FFFFFFF, v6;
	v7 =	vsub.f32 v11, v7;
	v3 =	vadd.f32 v5, v3  }
0x147: {  	v33 =	vld [tilespmem:$0x22C0];
	v2 =	vmul.f32 v8, v2;
	v5 =	vsub.f32 v31, v13;
	v13 =	vmul.f32 $5.000000000e-01, v45  }
0x148: {  	v29 =	vld [tilespmem:$0x2330];
	v4 =	vadd.f32 v35, v4;
	v7 =	vand.u32 $0x7FFFFFFF, v7;
	v3 =	vadd.f32 v9, v3  }
0x149: {  	v36 =	vld [tilespmem:$0x2250];
	v2 =	vmul.f32 v2, v8;
	v9 =	vsub.f32 v44, v46;
	v10 =	vsub.f32 v52, v53  }
0x14a: {  	v31 =	vld [tilespmem:$0x2240];
	v51 =	vmul.f32 v24, v13;
	v18 =	vsub.f32 v54, v56;
	v11 =	vsub.f32 v61, v63  }
0x14b: {  	p2 =	sgt.s32 s20, $0x0;
	s20 =	simm.f32 $1.000000000e+00;
	v5 =	vand.u32 $0x7FFFFFFF, v5;
	v4 =	vadd.f32 v41, v4;
	v2 =	vsub.f32 $1.500000000e+00, v2  }
0x14c: {  	s20 =	simm.s32 @!p2 $0x0;
	v34 =	vld [tilespmem:$0x2340];
	v3 =	vadd.f32 v5, v3;
	v5 =	vand.u32 $0x7FFFFFFF, v43;
	v12 =	vmul.f32 v24, v51  }
0x14d: {  	v35 =	vld [tilespmem:$0x23C0];
	v9 =	vmul.f32 s20, v9;
	v10 =	vmul.f32 s20, v10;
	v42 =	vsub.f32 v29, v30  }
0x14e: {  	v58 =	vld [tilespmem:$0x2320];
	v38 =	vmul.f32 v18, v18;
	v51 =	vsub.f32 v36, v37;
	v4 =	vadd.f32 v49, v4  }
0x14f: {  	v59 =	vld [tilespmem:$0x23A0];
	v44 =	vmul.f32 v11, v11;
	v48 =	vsub.f32 v31, v33;
	v12 =	vsub.f32 $1.500000000e+00, v12  }
0x150: {  	v53 =	vld [tilespmem:$0x2370];
	v2 =	vmul.f32 v2, v8;
	v3 =	vadd.f32 v5, v3;
	v5 =	vmul.f32 s22, v50  }
0x151: {  	v54 =	vld [tilespmem:$0x23F0];
	v9 =	vsub.f32 v16, v9;
	v10 =	vsub.f32 v32, v10;
	v60 =	vmul.f32 v24, v12  }
0x152: {  	v39 =	vld [tilespmem:$0x2350];
	v16 =	vmul.f32 v16, v16;
	v15 =	vsub.f32 v34, v35;
	v5 =	vsub.f32 v14, v5  }
0x153: {  	v41 =	vld [tilespmem:$0x23D0];
	v46 =	vmul.f32 s20, v42;
	v3 =	vadd.f32 v6, v3;
	v28 =	vmul.f32 v60, v13  }
0x154: {  	v56 =	vmul.f32 v51, v51;
	v4 =	vadd.f32 v57, v4;
	v5 =	vand.u32 $0x7FFFFFFF, v5  }
0x155: {  	v45 =	vld [tilespmem:$0x22E0];
	v17 =	vmul.f32 v48, v48;
	v3 =	vadd.f32 v5, v3;
	v5 =	vmul.f32 v28, v60  }
0x156: {  	v43 =	vld [tilespmem:$0x2260];
	v2 =	vmul.f32 s19, v2;
	v8 =	vsub.f32 v53, v54;
	v14 =	vsub.f32 v58, v59  }
0x157: {  	v9 =	vand.u32 $0x7FFFFFFF, v9;
	v10 =	vand.u32 $0x7FFFFFFF, v10;
	v5 =	vsub.f32 $1.500000000e+00, v5  }
0x158: {  	v15 =	vmul.f32 s20, v15;
	v12 =	vsub.f32 v39, v41;
	v14 =	vmul.f32 s20, v14  }
0x159: {  	s23 =	smul.f32 s19, s19;
	v47 =	vld [tilespmem:$0x2360];
	v4 =	vadd.f32 v62, v4;
	v9 =	vadd.f32 v10, v9;
	v5 =	vmul.f32 v5, v60  }
0x15a: {  	v49 =	vld [tilespmem:$0x23E0];
	v40 =	vsub.f32 v18, v14;
	v3 =	vadd.f32 v7, v3;
	v7 =	vmul.f32 v32, v32  }
0x15b: {  	v59 =	vsub.f32 v43, v45;
	v2 =	vmul.f32 s23, v2;
	v13 =	vmul.f32 v5, v13  }
0x15c: {  	v8 =	vmul.f32 s20, v8;
	v6 =	vand.u32 $0x7FFFFFFF, v40;
	v7 =	vadd.f32 v7, v16  }
0x15d: {  	v52 =	vld [tilespmem:$0x22F0];
	v15 =	vsub.f32 v48, v15;
	v6 =	vadd.f32 v6, v9;
	v13 =	vmul.f32 v13, v5  }
0x15e: {  	v50 =	vld [tilespmem:$0x2270];
	v12 =	vmul.f32 s20, v12;
	v9 =	vsub.f32 v11, v46;
	v7 =	vadd.f32 v38, v7  }
0x15f: {  	v57 =	vsub.f32 v47, v49;
	v2 =	vnsel vm0, $0x0, v2;
	v13 =	vsub.f32 $1.500000000e+00, v13  }
0x160: {  	v55 =	vand.u32 $0x7FFFFFFF, v15;
	v9 =	vand.u32 $0x7FFFFFFF, v9;
	v7 =	vadd.f32 v44, v7  }
0x161: {  	v58 =	vsub.f32 v51, v12;
	v6 =	vadd.f32 v9, v6;
	v5 =	vmul.f32 v13, v5  }
0x162: {  	v12 =	vmul.f32 v59, v59;
	v9 =	vmul.f32 s20, v57;
	v7 =	vadd.f32 v17, v7  }
0x163: {  	s24 =	smul.f32 s21, s21;
	v11 =	vsub.f32 v50, v52;
	v6 =	vadd.f32 v55, v6;
	v5 =	vmul.f32 s21, v5  }
0x164: {  	v10 =	vand.u32 $0x7FFFFFFF, v58;
	v9 =	vsub.f32 v59, v9;
	v7 =	vadd.f32 v56, v7  }
0x165: {  	(xrf2) =	vadd.scan.msk.f32 $0xffff, v2;
	v61 =	vmul.f32 v11, v11;
	v2 =	vadd.f32 v10, v6;
	v5 =	vmul.f32 s24, v5  }
0x166: {  	(xrf2) =	vadd.scan.msk.f32 $0xffff, v4;
	v8 =	vsub.f32 v11, v8;
	v62 =	vand.u32 $0x7FFFFFFF, v9;
	v60 =	vadd.f32 v12, v7  }
0x167: {  	(xrf2) =	vadd.scan.msk.f32 $0xffff, v3;
	v2 =	vadd.f32 v62, v2;
	v3 =	vnsel vm0, $0x0, v5  }
0x168: {  	v63 =	vadd.f32 v61, v60;
	(xrf2) =	vadd.scan.msk.f32 $0xffff, v3;
	v3 =	vand.u32 $0x7FFFFFFF, v8  }
0x169: {  	v2 =	vadd.f32 v3, v2  }
0x16a: {  	(xrf2) =	vadd.scan.msk.f32 $0xffff, v63  }
0x16b: {  	(xrf2) =	vadd.scan.msk.f32 $0xffff, v2;
	_ =	sdelay $0x3  }
0x16c: {  	v2, _, _ =	vpop (xrf2)  }
0x16d: {  	v3, _, _ =	vpop (xrf2);
	(v2sf) =	vpush v2, $0xF  }
0x16e: {  	v2, _, _ =	vpop (xrf2);
	(v2sf) =	vpush v3, $0xF  }
0x16f: {  	(v2sf) =	vpush v2, $0xF;
	v3, _, _ =	vpop (xrf2)  }
0x170: {  	(v2sf) =	vpush v3, $0xF  }
0x171: {  	v2, _, _ =	vpop (xrf2)  }
0x172: {  	(v2sf) =	vpush v2, $0xF;
	v2, _, _ =	vpop (xrf2)  }
0x173: {  	(v2sf) =	vpush v2, $0xF;
	_ =	sdelay $0x8  }
0x174: {  	s25 =	spop (v2sf)  }
0x175: {  	s26 =	spop (v2sf)  }
0x176: {  	s19 =	smul.f32 $5.000000000e-01, s25;
	s31 =	spop (v2sf)  }
0x177: {  	s23 =	spop (v2sf)  }
0x178: {  	s19 =	sadd.f32 $1.000000000e+00, s19;
	s22 =	smul.f32 $5.000000000e-01, s23  }
0x179: {  	s20 =	sadd.f32 s31, s26;
	s24 =	spop (v2sf)  }
0x17a: {  	s19 =	simm.s32 @p0 $0x3F800000;
	s21 =	sadd.f32 $1.000000000e+00, s22;
	s25 =	spop (v2sf)  }
0x17b: {  	s19 =	smul.f32 s20, s19;
	s26 =	sadd.f32 s25, s24  }
0x17c: {  	s21 =	simm.s32 @p1 $0x3F800000  }
0x17d: {  	s19 =	sadd.f32 $0.0e+00, s19;
	s20 =	smul.f32 s26, s21  }
0x17e: {  	_ = 	snop  }
0x17f: {  	s19 =	sadd.f32 s20, s19;
	_ =	sdelay $0x1  }
0x180: {  	s4 =	sadd.s32 $0x1, s4;
	v2 =	vmov s19  }
0x181: {  	p0 =	sne.s32 s4, s16;
	v2 =	vnsel vm1, $0x0, v2  }
.Ltmp4:
0x182: {  	s31 =	simm.s32 $0x2400;
	[tilespmem:$0x2400] =	vst v2;
	(pc) =	sbr.rel @p0 .LBB2_1-.Ltmp4, $4  }
0x183: {  	[hbm4b:s15+s3] =	stream.linear.scatter [tilespmem:s31], [sflag:$0x4], $0x80, $0x38;
	[tilespmem:$0x2480] =	vst v63  }
0x184: {  	_ =	swait.ge [sflag:s0], $0x80  }
0x185: {  	[sflag:s0] =	ssyncset.done $0x0  }
0x186: {  	[sflag:s0] =	ssyncadd.s32 $0xFFFFFF80  }
0x187: {  	_ =	sfence.sel $0x180000  }
0x188: {  	[bflag:$0x0] =	sbarrier.arrive $0xFFFF  }
0x189: {  	_ =	strace $0x90000047  }
0x18a: {  	s0 =	stileid.u32;
	[bflag:$0x2] =	sbarrier.arrive $0xFFFF  }
0x18b: {  	p0 =	sne.s32 s0, $0x0;
	s0 =	rddreg [dreg:$0x3]  }
0x18c: {  	s0 =	sadd.s32 @!p0 $0x100000, s0  }
0x18d: {  	[sflag:s0] =	ssyncadd.tile.s32 @!p0 $0x1;
	_ =	shalt  }
.Lfunc_end2:
_tile_overlayer_lowered:
.L_overlay_start_2:
0x18e: {  	(tag) =	ssettag $0x2  }
0x18f: {  	s0 =	rddreg [dreg:$0x0];
	s2 =	stileid.u32  }
0x190: {  	s1 =	rddreg [dreg:$0x1];
	p0 =	sne.s32 s2, $0x0  }
0x191: {  	s3 =	rddreg [dreg:$0x2];
	[bflag:$0x3] =	sbarrier.arrive $0xFFFF;
	s2 =	simm.s32 @!p0 $0x1C04  }
0x192: {  	[timem:s3], [sflag:s2] =	dma.local @!p0 [hbm:s0], s1  }
0x193: {  	s0 =	simm.s32 @!p0 $0x4  }
0x194: {  	_ =	swait.ge @!p0 [sflag:s0], s1  }
0x195: {  	s1 =	ssub.s32 @!p0 $0x0, s1;
	[sflag:s0] =	ssyncset.done @!p0 $0x0  }
0x196: {  	[sflag:s0] =	ssyncadd.s32 @!p0 s1  }
0x197: {  	[bflag:$0x3] =	sbarrier.arrive $0xFFFF  }
0x198: {  	_ =	shalt  }

</sc_bundles>
